<compile_context>
chip_gen: v7x
topology: tpu7x:2x2x1
jax: 0.10.2.dev20260603
libtpu: 0.0.44.dev20260713+nightly
codegen_flags: <defaults>
</compile_context>

<pallas_src>
import functools

import jax
import jax.numpy as jnp
from jax import lax
from jax.experimental import pallas as pl
from jax.experimental.pallas import tpu as pltpu
from jax.experimental.pallas import tpu_sc as plsc

_N = 32768
_D = 768
_E = 64
_B = 4096
_G = _N // _B

_NTILE = 32
_CHUNK = _N // _NTILE
_ROWS = _CHUNK // 16


def _router_body(x_ref, wg_ref,
                 g1_ref, idx_ref, laux_ref, ent_ref,
                 cntacc_ref, meacc_ref, entacc_ref):
    i = pl.program_id(0)

    @pl.when(i == 0)
    def _():
        cntacc_ref[...] = jnp.zeros_like(cntacc_ref)
        meacc_ref[...] = jnp.zeros_like(meacc_ref)
        entacc_ref[...] = jnp.zeros_like(entacc_ref)

    lt = jax.lax.dot_general(wg_ref[...], x_ref[...],
                             (((1,), (1,)), ((), ())),
                             preferred_element_type=jnp.float32)
    m = jnp.max(lt, axis=0, keepdims=True)
    d = lt - m
    e = jnp.exp(d)
    s = jnp.sum(e, axis=0, keepdims=True)
    t1 = jnp.sum(e * d, axis=0, keepdims=True)
    r = 1.0 / s
    entacc_ref[...] += jnp.log(s) - t1 * r
    g1_ref[...] = r.reshape(1, 1, _B)
    meacc_ref[...] += e * r

    row = jax.lax.broadcasted_iota(jnp.int32, (_E, _B), 0)
    idx = jnp.min(jnp.where(lt == m, row, _E), axis=0, keepdims=True)
    idx_ref[...] = idx.reshape(1, 1, _B)
    cntacc_ref[...] += (row == idx).astype(jnp.float32)

    @pl.when(i == _G - 1)
    def _():
        me = jnp.sum(meacc_ref[...], axis=1, keepdims=True)
        cnt = jnp.sum(cntacc_ref[...], axis=1, keepdims=True)
        laux_ref[...] = (jnp.sum(me * cnt, axis=0, keepdims=True)
                         * (_E / (_N * _N)))
        ent_ref[...] = jnp.sum(entacc_ref[...], axis=1, keepdims=True) / _N


_sc_mesh = plsc.VectorSubcoreMesh(core_axis_name="c", subcore_axis_name="s")


@functools.partial(
    pl.kernel,
    mesh=_sc_mesh,
    out_type=(jax.ShapeDtypeStruct((_N // 16, 16), jnp.int32),
              jax.ShapeDtypeStruct((_NTILE, _E), jnp.int32)),
    scratch_types=[
        pltpu.VMEM((_ROWS, 16), jnp.int32),
        pltpu.VMEM((_ROWS, 16), jnp.int32),
        pltpu.VMEM((_E,), jnp.int32),
    ],
    compiler_params=pltpu.CompilerParams(needs_layout_passes=False),
)
def _ranks_sc(idx_hbm, rank_hbm, hist_hbm, idx3, rank3, counts):
    wid = lax.axis_index("s") * 2 + lax.axis_index("c")

    r0 = wid * _ROWS
    pltpu.sync_copy(idx_hbm.at[pl.ds(r0, _ROWS), :], idx3)
    for k in range(_E // 16):
        counts[pl.ds(k * 16, 16)] = jnp.zeros((16,), jnp.int32)

    def step(t, carry):
        v = idx3[t, :]
        c = plsc.load_gather(counts, [v])
        dup, last = plsc.scan_count(v)
        rank3[t, :] = c + dup - 1
        plsc.store_scatter(counts, [v], c + dup, mask=last)
        return carry

    lax.fori_loop(0, _ROWS, step, 0)
    pltpu.sync_copy(rank3, rank_hbm.at[pl.ds(r0, _ROWS), :])
    pltpu.sync_copy(counts, hist_hbm.at[wid])


@functools.partial(
    pl.kernel,
    mesh=_sc_mesh,
    out_type=jax.ShapeDtypeStruct((_N // 16, 16), jnp.int32),
    scratch_types=[
        pltpu.VMEM((_ROWS, 16), jnp.int32),
        pltpu.VMEM((_ROWS, 16), jnp.int32),
        pltpu.VMEM((_NTILE, _E), jnp.int32),
        pltpu.VMEM((_E,), jnp.int32),
    ],
    compiler_params=pltpu.CompilerParams(needs_layout_passes=False),
)
def _combine_sc(idx_hbm, rank_hbm, hist_hbm, out_hbm, idx3, rank3, allh,
            basev):
    wid = lax.axis_index("s") * 2 + lax.axis_index("c")

    r0 = wid * _ROWS
    pltpu.sync_copy(idx_hbm.at[pl.ds(r0, _ROWS), :], idx3)
    pltpu.sync_copy(rank_hbm.at[pl.ds(r0, _ROWS), :], rank3)
    pltpu.sync_copy(hist_hbm, allh)

    sidv = jnp.full((16,), wid, jnp.int32)
    for k in range(_E // 16):
        acc = jnp.zeros((16,), jnp.int32)
        for tp in range(_NTILE - 1):
            rowv = allh[tp, pl.ds(k * 16, 16)]
            tpv = jnp.full((16,), tp, jnp.int32)
            acc = acc + jnp.where(tpv < sidv, rowv,
                                  jnp.zeros((16,), jnp.int32))
        basev[pl.ds(k * 16, 16)] = acc

    def fix(t, carry):
        v = idx3[t, :]
        rank3[t, :] = rank3[t, :] + plsc.load_gather(basev, [v])
        return carry

    lax.fori_loop(0, _ROWS, fix, 0)
    pltpu.sync_copy(rank3, out_hbm.at[pl.ds(r0, _ROWS), :])


def _run_tc(input, wg, interpret=False):
    g1, idx, laux, ent = pl.pallas_call(
        _router_body,
        grid=(_G,),
        in_specs=[
            pl.BlockSpec((_B, _D), lambda i: (i, 0)),
            pl.BlockSpec((_E, _D), lambda i: (0, 0)),
        ],
        out_specs=[
            pl.BlockSpec((1, 1, _B), lambda i: (i, 0, 0)),
            pl.BlockSpec((1, 1, _B), lambda i: (i, 0, 0)),
            pl.BlockSpec((1, 1), lambda i: (0, 0)),
            pl.BlockSpec((1, 1), lambda i: (0, 0)),
        ],
        out_shape=[
            jax.ShapeDtypeStruct((_G, 1, _B), jnp.float32),
            jax.ShapeDtypeStruct((_G, 1, _B), jnp.int32),
            jax.ShapeDtypeStruct((1, 1), jnp.float32),
            jax.ShapeDtypeStruct((1, 1), jnp.float32),
        ],
        scratch_shapes=[
            pltpu.VMEM((_E, _B), jnp.float32),
            pltpu.VMEM((_E, _B), jnp.float32),
            pltpu.VMEM((1, _B), jnp.float32),
        ],
        compiler_params=pltpu.CompilerParams(
            dimension_semantics=("arbitrary",),
        ),
        interpret=interpret,
    )(input, wg)
    return g1, idx, laux, ent


def kernel(input, wg):
    g1, idx, laux, ent = _run_tc(input, wg)
    idx2 = idx.reshape(_N // 16, 16)
    rank, hist = _ranks_sc(idx2)
    loc = _combine_sc(idx2, rank, hist)
    return (laux.reshape(()), g1.reshape(_N), idx.reshape(_N),
            loc.reshape(_N), ent.reshape(()))

# --- scband reference (transcript-rebuilt; emitter-appended) ---
"""Pipeline reference for scband-top1-gate-53352083751353 (READ-ONLY COPY).

The authoritative reference and input builder live on the scoring server;
editing this copy changes nothing except your own understanding.
"""

import jax, jax.numpy as jnp
import numpy as np

MODEL_DIM = 768
NUM_EXPERTS = 64
NUM_TOKENS = 32768


def setup_inputs(seed: int = 0) -> dict:
    key = jax.random.key(seed)
    k1, k2 = jax.random.split(key)
    inp = jax.random.normal(k1, (NUM_TOKENS, MODEL_DIM), dtype=jnp.float32)
    wg = jax.random.normal(k2, (NUM_EXPERTS, MODEL_DIM), dtype=jnp.float32) / np.sqrt(MODEL_DIM)
    return {"input": inp, "wg": wg}


def reference(input, wg):
    # logits = self.wg(input); torch Linear weight is [out, in]
    logits = input @ wg.T
    gates = jax.nn.softmax(logits, axis=1)
    # metadata['entropy_gating'] = entropy(probs=gates).mean()
    entropy_gating = jnp.mean(-jnp.sum(gates * jnp.log(gates + 1e-9), axis=-1))
    indices1_s = jnp.argmax(gates, axis=1)
    mask1 = jax.nn.one_hot(indices1_s, NUM_EXPERTS, dtype=gates.dtype)
    gates1_s = jnp.sum(gates * mask1, axis=1)
    mask1_i = mask1.astype(jnp.int32)
    locations1 = jnp.cumsum(mask1_i, axis=0) - 1
    locations1_s = jnp.sum(locations1 * mask1_i, axis=1)
    me = jnp.mean(gates, axis=0)
    ce = jnp.mean(mask1, axis=0)
    l_aux = jnp.mean(me * ce) * NUM_EXPERTS * NUM_EXPERTS
    return (l_aux, gates1_s, indices1_s, locations1_s, entropy_gating)

if __name__ == "__main__":
    import jax
    _d = setup_inputs()
    print(jax.jit(kernel)(*tuple(_d.values())))

</pallas_src>

<mosaic_0001>
#map = affine_map<(d0, d1) -> (0, 0)>
module attributes {stable_mosaic.version = 14 : i64} {
  func.func @_combine_sc(%arg0: i32, %arg1: i32, %arg2: memref<2048x16xi32, #tpu.memory_space<hbm>>, %arg3: memref<2048x16xi32, #tpu.memory_space<hbm>>, %arg4: memref<32x64xi32, #tpu.memory_space<hbm>>, %arg5: memref<2048x16xi32, #tpu.memory_space<hbm>>, %arg6: memref<64x16xi32, #tpu.memory_space<vmem>>, %arg7: memref<64x16xi32, #tpu.memory_space<vmem>>, %arg8: memref<32x64xi32, #tpu.memory_space<vmem>>, %arg9: memref<64xi32, #tpu.memory_space<vmem>>) attributes {dimension_semantics = [#tpu.dimension_semantics<core_parallel>, #tpu.dimension_semantics<subcore_parallel>], iteration_bounds = array<i64: 2, 16>, scalar_prefetch = 0 : i64, scratch_operands = 4 : i64, tpu.core_type = #tpu.core_type<sc_vector_subcore>, window_params = [{transform_indices = #map}, {transform_indices = #map}, {transform_indices = #map}, {transform_indices = #map}]} {
    %mul3A = arith.constant 2 : i32
    %mul3A_0 = arith.muli %arg1, %mul3A : i32
    %add3A = arith.addi %mul3A_0, %arg0 : i32
    %mul3A_1 = arith.constant 64 : i32
    %mul3A_2 = arith.muli %add3A, %mul3A_1 : i32
    "tpu.region"() ({
      %run_scoped3A = tpu.sem_alloc : memref<!tpu.dma_semaphore, #tpu.memory_space<semaphore_mem>>
      %dma_start3A = arith.constant 0 : i32
      %dma_start3A_1384 = tpu.memref_slice %arg2[%mul3A_2, %dma_start3A] : memref<2048x16xi32, #tpu.memory_space<hbm>> -> memref<64x16xi32, #tpu.memory_space<hbm>>
      %dma_start3A_1385 = arith.constant 0 : i32
      %dma_start3A_1386 = tpu.memref_slice %arg2[%mul3A_2, %dma_start3A_1385] : memref<2048x16xi32, #tpu.memory_space<hbm>> -> memref<64x16xi32, #tpu.memory_space<hbm>>
      tpu.enqueue_dma source(%dma_start3A_1386 : memref<64x16xi32, #tpu.memory_space<hbm>>) target(%arg6 : memref<64x16xi32, #tpu.memory_space<vmem>>) target_semaphore(%run_scoped3A : memref<!tpu.dma_semaphore, #tpu.memory_space<semaphore_mem>>)
      %dma_wait3A = arith.constant 0 : i32
      %dma_wait3A_1387 = tpu.memref_slice %arg2[%mul3A_2, %dma_wait3A] : memref<2048x16xi32, #tpu.memory_space<hbm>> -> memref<64x16xi32, #tpu.memory_space<hbm>>
      %dma_wait3A_1388 = arith.constant 0 : i32
      %dma_wait3A_1389 = tpu.memref_slice %arg2[%mul3A_2, %dma_wait3A_1388] : memref<2048x16xi32, #tpu.memory_space<hbm>> -> memref<64x16xi32, #tpu.memory_space<hbm>>
      tpu.wait_dma2 semaphore(%run_scoped3A : memref<!tpu.dma_semaphore, #tpu.memory_space<semaphore_mem>>) src(%dma_wait3A_1389 : memref<64x16xi32, #tpu.memory_space<hbm>>) dst(%arg6 : memref<64x16xi32, #tpu.memory_space<vmem>>)
      tpu.yield
    }) : () -> ()
    "tpu.region"() ({
      %run_scoped3A = tpu.sem_alloc : memref<!tpu.dma_semaphore, #tpu.memory_space<semaphore_mem>>
      %dma_start3A = arith.constant 0 : i32
      %dma_start3A_1384 = tpu.memref_slice %arg3[%mul3A_2, %dma_start3A] : memref<2048x16xi32, #tpu.memory_space<hbm>> -> memref<64x16xi32, #tpu.memory_space<hbm>>
      %dma_start3A_1385 = arith.constant 0 : i32
      %dma_start3A_1386 = tpu.memref_slice %arg3[%mul3A_2, %dma_start3A_1385] : memref<2048x16xi32, #tpu.memory_space<hbm>> -> memref<64x16xi32, #tpu.memory_space<hbm>>
      tpu.enqueue_dma source(%dma_start3A_1386 : memref<64x16xi32, #tpu.memory_space<hbm>>) target(%arg7 : memref<64x16xi32, #tpu.memory_space<vmem>>) target_semaphore(%run_scoped3A : memref<!tpu.dma_semaphore, #tpu.memory_space<semaphore_mem>>)
      %dma_wait3A = arith.constant 0 : i32
      %dma_wait3A_1387 = tpu.memref_slice %arg3[%mul3A_2, %dma_wait3A] : memref<2048x16xi32, #tpu.memory_space<hbm>> -> memref<64x16xi32, #tpu.memory_space<hbm>>
      %dma_wait3A_1388 = arith.constant 0 : i32
      %dma_wait3A_1389 = tpu.memref_slice %arg3[%mul3A_2, %dma_wait3A_1388] : memref<2048x16xi32, #tpu.memory_space<hbm>> -> memref<64x16xi32, #tpu.memory_space<hbm>>
      tpu.wait_dma2 semaphore(%run_scoped3A : memref<!tpu.dma_semaphore, #tpu.memory_space<semaphore_mem>>) src(%dma_wait3A_1389 : memref<64x16xi32, #tpu.memory_space<hbm>>) dst(%arg7 : memref<64x16xi32, #tpu.memory_space<vmem>>)
      tpu.yield
    }) : () -> ()
    "tpu.region"() ({
      %run_scoped3A = tpu.sem_alloc : memref<!tpu.dma_semaphore, #tpu.memory_space<semaphore_mem>>
      tpu.enqueue_dma source(%arg4 : memref<32x64xi32, #tpu.memory_space<hbm>>) target(%arg8 : memref<32x64xi32, #tpu.memory_space<vmem>>) target_semaphore(%run_scoped3A : memref<!tpu.dma_semaphore, #tpu.memory_space<semaphore_mem>>)
      tpu.wait_dma2 semaphore(%run_scoped3A : memref<!tpu.dma_semaphore, #tpu.memory_space<semaphore_mem>>) src(%arg4 : memref<32x64xi32, #tpu.memory_space<hbm>>) dst(%arg8 : memref<32x64xi32, #tpu.memory_space<vmem>>)
      tpu.yield
    }) : () -> ()
    %broadcast_in_dim3A = vector.broadcast %add3A : i32 to vector<16xi32>
    %broadcast_in_dim3A_3 = arith.constant 0 : i32
    %broadcast_in_dim3A_4 = vector.broadcast %broadcast_in_dim3A_3 : i32 to vector<16xi32>
    %get3A = arith.constant 0 : i32
    %get3A_5 = arith.index_cast %get3A : i32 to index
    %get3A_6 = arith.constant 0 : index
    %get3A_7 = tpu.vector_load %arg8[%get3A_5, %get3A_6] {strides = array<i32>} : memref<32x64xi32, #tpu.memory_space<vmem>>, vector<16xi32>,
    %broadcast_in_dim3A_8 = arith.constant 0 : i32
    %broadcast_in_dim3A_9 = vector.broadcast %broadcast_in_dim3A_8 : i32 to vector<16xi32>
    %lt3A = arith.cmpi slt, %broadcast_in_dim3A_9, %broadcast_in_dim3A : vector<16xi32>
    %broadcast_in_dim3A_10 = arith.constant 0 : i32
    %broadcast_in_dim3A_11 = vector.broadcast %broadcast_in_dim3A_10 : i32 to vector<16xi32>
    %select_n3A = arith.select %lt3A, %get3A_7, %broadcast_in_dim3A_11 : vector<16xi1>, vector<16xi32>
    %add3A_12 = arith.addi %broadcast_in_dim3A_4, %select_n3A : vector<16xi32>
    %get3A_13 = arith.constant 1 : i32
    %get3A_14 = arith.index_cast %get3A_13 : i32 to index
    %get3A_15 = arith.constant 0 : index
    %get3A_16 = tpu.vector_load %arg8[%get3A_14, %get3A_15] {strides = array<i32>} : memref<32x64xi32, #tpu.memory_space<vmem>>, vector<16xi32>,
    %broadcast_in_dim3A_17 = arith.constant 1 : i32
    %broadcast_in_dim3A_18 = vector.broadcast %broadcast_in_dim3A_17 : i32 to vector<16xi32>
    %lt3A_19 = arith.cmpi slt, %broadcast_in_dim3A_18, %broadcast_in_dim3A : vector<16xi32>
    %broadcast_in_dim3A_20 = arith.constant 0 : i32
    %broadcast_in_dim3A_21 = vector.broadcast %broadcast_in_dim3A_20 : i32 to vector<16xi32>
    %select_n3A_22 = arith.select %lt3A_19, %get3A_16, %broadcast_in_dim3A_21 : vector<16xi1>, vector<16xi32>
    %add3A_23 = arith.addi %add3A_12, %select_n3A_22 : vector<16xi32>
    %get3A_24 = arith.constant 2 : i32
    %get3A_25 = arith.index_cast %get3A_24 : i32 to index
    %get3A_26 = arith.constant 0 : index
    %get3A_27 = tpu.vector_load %arg8[%get3A_25, %get3A_26] {strides = array<i32>} : memref<32x64xi32, #tpu.memory_space<vmem>>, vector<16xi32>,
    %broadcast_in_dim3A_28 = arith.constant 2 : i32
    %broadcast_in_dim3A_29 = vector.broadcast %broadcast_in_dim3A_28 : i32 to vector<16xi32>
    %lt3A_30 = arith.cmpi slt, %broadcast_in_dim3A_29, %broadcast_in_dim3A : vector<16xi32>
    %broadcast_in_dim3A_31 = arith.constant 0 : i32
    %broadcast_in_dim3A_32 = vector.broadcast %broadcast_in_dim3A_31 : i32 to vector<16xi32>
    %select_n3A_33 = arith.select %lt3A_30, %get3A_27, %broadcast_in_dim3A_32 : vector<16xi1>, vector<16xi32>
    %add3A_34 = arith.addi %add3A_23, %select_n3A_33 : vector<16xi32>
    %get3A_35 = arith.constant 3 : i32
    %get3A_36 = arith.index_cast %get3A_35 : i32 to index
    %get3A_37 = arith.constant 0 : index
    %get3A_38 = tpu.vector_load %arg8[%get3A_36, %get3A_37] {strides = array<i32>} : memref<32x64xi32, #tpu.memory_space<vmem>>, vector<16xi32>,
    %broadcast_in_dim3A_39 = arith.constant 3 : i32
    %broadcast_in_dim3A_40 = vector.broadcast %broadcast_in_dim3A_39 : i32 to vector<16xi32>
    %lt3A_41 = arith.cmpi slt, %broadcast_in_dim3A_40, %broadcast_in_dim3A : vector<16xi32>
    %broadcast_in_dim3A_42 = arith.constant 0 : i32
    %broadcast_in_dim3A_43 = vector.broadcast %broadcast_in_dim3A_42 : i32 to vector<16xi32>
    %select_n3A_44 = arith.select %lt3A_41, %get3A_38, %broadcast_in_dim3A_43 : vector<16xi1>, vector<16xi32>
    %add3A_45 = arith.addi %add3A_34, %select_n3A_44 : vector<16xi32>
    %get3A_46 = arith.constant 4 : i32
    %get3A_47 = arith.index_cast %get3A_46 : i32 to index
    %get3A_48 = arith.constant 0 : index
    %get3A_49 = tpu.vector_load %arg8[%get3A_47, %get3A_48] {strides = array<i32>} : memref<32x64xi32, #tpu.memory_space<vmem>>, vector<16xi32>,
    %broadcast_in_dim3A_50 = arith.constant 4 : i32
    %broadcast_in_dim3A_51 = vector.broadcast %broadcast_in_dim3A_50 : i32 to vector<16xi32>
    %lt3A_52 = arith.cmpi slt, %broadcast_in_dim3A_51, %broadcast_in_dim3A : vector<16xi32>
    %broadcast_in_dim3A_53 = arith.constant 0 : i32
    %broadcast_in_dim3A_54 = vector.broadcast %broadcast_in_dim3A_53 : i32 to vector<16xi32>
    %select_n3A_55 = arith.select %lt3A_52, %get3A_49, %broadcast_in_dim3A_54 : vector<16xi1>, vector<16xi32>
    %add3A_56 = arith.addi %add3A_45, %select_n3A_55 : vector<16xi32>
    %get3A_57 = arith.constant 5 : i32
    %get3A_58 = arith.index_cast %get3A_57 : i32 to index
    %get3A_59 = arith.constant 0 : index
    %get3A_60 = tpu.vector_load %arg8[%get3A_58, %get3A_59] {strides = array<i32>} : memref<32x64xi32, #tpu.memory_space<vmem>>, vector<16xi32>,
    %broadcast_in_dim3A_61 = arith.constant 5 : i32
    %broadcast_in_dim3A_62 = vector.broadcast %broadcast_in_dim3A_61 : i32 to vector<16xi32>
    %lt3A_63 = arith.cmpi slt, %broadcast_in_dim3A_62, %broadcast_in_dim3A : vector<16xi32>
    %broadcast_in_dim3A_64 = arith.constant 0 : i32
    %broadcast_in_dim3A_65 = vector.broadcast %broadcast_in_dim3A_64 : i32 to vector<16xi32>
    %select_n3A_66 = arith.select %lt3A_63, %get3A_60, %broadcast_in_dim3A_65 : vector<16xi1>, vector<16xi32>
    %add3A_67 = arith.addi %add3A_56, %select_n3A_66 : vector<16xi32>
    %get3A_68 = arith.constant 6 : i32
    %get3A_69 = arith.index_cast %get3A_68 : i32 to index
    %get3A_70 = arith.constant 0 : index
    %get3A_71 = tpu.vector_load %arg8[%get3A_69, %get3A_70] {strides = array<i32>} : memref<32x64xi32, #tpu.memory_space<vmem>>, vector<16xi32>,
    %broadcast_in_dim3A_72 = arith.constant 6 : i32
    %broadcast_in_dim3A_73 = vector.broadcast %broadcast_in_dim3A_72 : i32 to vector<16xi32>
    %lt3A_74 = arith.cmpi slt, %broadcast_in_dim3A_73, %broadcast_in_dim3A : vector<16xi32>
    %broadcast_in_dim3A_75 = arith.constant 0 : i32
    %broadcast_in_dim3A_76 = vector.broadcast %broadcast_in_dim3A_75 : i32 to vector<16xi32>
    %select_n3A_77 = arith.select %lt3A_74, %get3A_71, %broadcast_in_dim3A_76 : vector<16xi1>, vector<16xi32>
    %add3A_78 = arith.addi %add3A_67, %select_n3A_77 : vector<16xi32>
    %get3A_79 = arith.constant 7 : i32
    %get3A_80 = arith.index_cast %get3A_79 : i32 to index
    %get3A_81 = arith.constant 0 : index
    %get3A_82 = tpu.vector_load %arg8[%get3A_80, %get3A_81] {strides = array<i32>} : memref<32x64xi32, #tpu.memory_space<vmem>>, vector<16xi32>,
    %broadcast_in_dim3A_83 = arith.constant 7 : i32
    %broadcast_in_dim3A_84 = vector.broadcast %broadcast_in_dim3A_83 : i32 to vector<16xi32>
    %lt3A_85 = arith.cmpi slt, %broadcast_in_dim3A_84, %broadcast_in_dim3A : vector<16xi32>
    %broadcast_in_dim3A_86 = arith.constant 0 : i32
    %broadcast_in_dim3A_87 = vector.broadcast %broadcast_in_dim3A_86 : i32 to vector<16xi32>
    %select_n3A_88 = arith.select %lt3A_85, %get3A_82, %broadcast_in_dim3A_87 : vector<16xi1>, vector<16xi32>
    %add3A_89 = arith.addi %add3A_78, %select_n3A_88 : vector<16xi32>
    %get3A_90 = arith.constant 8 : i32
    %get3A_91 = arith.index_cast %get3A_90 : i32 to index
    %get3A_92 = arith.constant 0 : index
    %get3A_93 = tpu.vector_load %arg8[%get3A_91, %get3A_92] {strides = array<i32>} : memref<32x64xi32, #tpu.memory_space<vmem>>, vector<16xi32>,
    %broadcast_in_dim3A_94 = arith.constant 8 : i32
    %broadcast_in_dim3A_95 = vector.broadcast %broadcast_in_dim3A_94 : i32 to vector<16xi32>
    %lt3A_96 = arith.cmpi slt, %broadcast_in_dim3A_95, %broadcast_in_dim3A : vector<16xi32>
    %broadcast_in_dim3A_97 = arith.constant 0 : i32
    %broadcast_in_dim3A_98 = vector.broadcast %broadcast_in_dim3A_97 : i32 to vector<16xi32>
    %select_n3A_99 = arith.select %lt3A_96, %get3A_93, %broadcast_in_dim3A_98 : vector<16xi1>, vector<16xi32>
    %add3A_100 = arith.addi %add3A_89, %select_n3A_99 : vector<16xi32>
    %get3A_101 = arith.constant 9 : i32
    %get3A_102 = arith.index_cast %get3A_101 : i32 to index
    %get3A_103 = arith.constant 0 : index
    %get3A_104 = tpu.vector_load %arg8[%get3A_102, %get3A_103] {strides = array<i32>} : memref<32x64xi32, #tpu.memory_space<vmem>>, vector<16xi32>,
    %broadcast_in_dim3A_105 = arith.constant 9 : i32
    %broadcast_in_dim3A_106 = vector.broadcast %broadcast_in_dim3A_105 : i32 to vector<16xi32>
    %lt3A_107 = arith.cmpi slt, %broadcast_in_dim3A_106, %broadcast_in_dim3A : vector<16xi32>
    %broadcast_in_dim3A_108 = arith.constant 0 : i32
    %broadcast_in_dim3A_109 = vector.broadcast %broadcast_in_dim3A_108 : i32 to vector<16xi32>
    %select_n3A_110 = arith.select %lt3A_107, %get3A_104, %broadcast_in_dim3A_109 : vector<16xi1>, vector<16xi32>
    %add3A_111 = arith.addi %add3A_100, %select_n3A_110 : vector<16xi32>
    %get3A_112 = arith.constant 10 : i32
    %get3A_113 = arith.index_cast %get3A_112 : i32 to index
    %get3A_114 = arith.constant 0 : index
    %get3A_115 = tpu.vector_load %arg8[%get3A_113, %get3A_114] {strides = array<i32>} : memref<32x64xi32, #tpu.memory_space<vmem>>, vector<16xi32>,
    %broadcast_in_dim3A_116 = arith.constant 10 : i32
    %broadcast_in_dim3A_117 = vector.broadcast %broadcast_in_dim3A_116 : i32 to vector<16xi32>
    %lt3A_118 = arith.cmpi slt, %broadcast_in_dim3A_117, %broadcast_in_dim3A : vector<16xi32>
    %broadcast_in_dim3A_119 = arith.constant 0 : i32
    %broadcast_in_dim3A_120 = vector.broadcast %broadcast_in_dim3A_119 : i32 to vector<16xi32>
    %select_n3A_121 = arith.select %lt3A_118, %get3A_115, %broadcast_in_dim3A_120 : vector<16xi1>, vector<16xi32>
    %add3A_122 = arith.addi %add3A_111, %select_n3A_121 : vector<16xi32>
    %get3A_123 = arith.constant 11 : i32
    %get3A_124 = arith.index_cast %get3A_123 : i32 to index
    %get3A_125 = arith.constant 0 : index
    %get3A_126 = tpu.vector_load %arg8[%get3A_124, %get3A_125] {strides = array<i32>} : memref<32x64xi32, #tpu.memory_space<vmem>>, vector<16xi32>,
    %broadcast_in_dim3A_127 = arith.constant 11 : i32
    %broadcast_in_dim3A_128 = vector.broadcast %broadcast_in_dim3A_127 : i32 to vector<16xi32>
    %lt3A_129 = arith.cmpi slt, %broadcast_in_dim3A_128, %broadcast_in_dim3A : vector<16xi32>
    %broadcast_in_dim3A_130 = arith.constant 0 : i32
    %broadcast_in_dim3A_131 = vector.broadcast %broadcast_in_dim3A_130 : i32 to vector<16xi32>
    %select_n3A_132 = arith.select %lt3A_129, %get3A_126, %broadcast_in_dim3A_131 : vector<16xi1>, vector<16xi32>
    %add3A_133 = arith.addi %add3A_122, %select_n3A_132 : vector<16xi32>
    %get3A_134 = arith.constant 12 : i32
    %get3A_135 = arith.index_cast %get3A_134 : i32 to index
    %get3A_136 = arith.constant 0 : index
    %get3A_137 = tpu.vector_load %arg8[%get3A_135, %get3A_136] {strides = array<i32>} : memref<32x64xi32, #tpu.memory_space<vmem>>, vector<16xi32>,
    %broadcast_in_dim3A_138 = arith.constant 12 : i32
    %broadcast_in_dim3A_139 = vector.broadcast %broadcast_in_dim3A_138 : i32 to vector<16xi32>
    %lt3A_140 = arith.cmpi slt, %broadcast_in_dim3A_139, %broadcast_in_dim3A : vector<16xi32>
    %broadcast_in_dim3A_141 = arith.constant 0 : i32
    %broadcast_in_dim3A_142 = vector.broadcast %broadcast_in_dim3A_141 : i32 to vector<16xi32>
    %select_n3A_143 = arith.select %lt3A_140, %get3A_137, %broadcast_in_dim3A_142 : vector<16xi1>, vector<16xi32>
    %add3A_144 = arith.addi %add3A_133, %select_n3A_143 : vector<16xi32>
    %get3A_145 = arith.constant 13 : i32
    %get3A_146 = arith.index_cast %get3A_145 : i32 to index
    %get3A_147 = arith.constant 0 : index
    %get3A_148 = tpu.vector_load %arg8[%get3A_146, %get3A_147] {strides = array<i32>} : memref<32x64xi32, #tpu.memory_space<vmem>>, vector<16xi32>,
    %broadcast_in_dim3A_149 = arith.constant 13 : i32
    %broadcast_in_dim3A_150 = vector.broadcast %broadcast_in_dim3A_149 : i32 to vector<16xi32>
    %lt3A_151 = arith.cmpi slt, %broadcast_in_dim3A_150, %broadcast_in_dim3A : vector<16xi32>
    %broadcast_in_dim3A_152 = arith.constant 0 : i32
    %broadcast_in_dim3A_153 = vector.broadcast %broadcast_in_dim3A_152 : i32 to vector<16xi32>
    %select_n3A_154 = arith.select %lt3A_151, %get3A_148, %broadcast_in_dim3A_153 : vector<16xi1>, vector<16xi32>
    %add3A_155 = arith.addi %add3A_144, %select_n3A_154 : vector<16xi32>
    %get3A_156 = arith.constant 14 : i32
    %get3A_157 = arith.index_cast %get3A_156 : i32 to index
    %get3A_158 = arith.constant 0 : index
    %get3A_159 = tpu.vector_load %arg8[%get3A_157, %get3A_158] {strides = array<i32>} : memref<32x64xi32, #tpu.memory_space<vmem>>, vector<16xi32>,
    %broadcast_in_dim3A_160 = arith.constant 14 : i32
    %broadcast_in_dim3A_161 = vector.broadcast %broadcast_in_dim3A_160 : i32 to vector<16xi32>
    %lt3A_162 = arith.cmpi slt, %broadcast_in_dim3A_161, %broadcast_in_dim3A : vector<16xi32>
    %broadcast_in_dim3A_163 = arith.constant 0 : i32
    %broadcast_in_dim3A_164 = vector.broadcast %broadcast_in_dim3A_163 : i32 to vector<16xi32>
    %select_n3A_165 = arith.select %lt3A_162, %get3A_159, %broadcast_in_dim3A_164 : vector<16xi1>, vector<16xi32>
    %add3A_166 = arith.addi %add3A_155, %select_n3A_165 : vector<16xi32>
    %get3A_167 = arith.constant 15 : i32
    %get3A_168 = arith.index_cast %get3A_167 : i32 to index
    %get3A_169 = arith.constant 0 : index
    %get3A_170 = tpu.vector_load %arg8[%get3A_168, %get3A_169] {strides = array<i32>} : memref<32x64xi32, #tpu.memory_space<vmem>>, vector<16xi32>,
    %broadcast_in_dim3A_171 = arith.constant 15 : i32
    %broadcast_in_dim3A_172 = vector.broadcast %broadcast_in_dim3A_171 : i32 to vector<16xi32>
    %lt3A_173 = arith.cmpi slt, %broadcast_in_dim3A_172, %broadcast_in_dim3A : vector<16xi32>
    %broadcast_in_dim3A_174 = arith.constant 0 : i32
    %broadcast_in_dim3A_175 = vector.broadcast %broadcast_in_dim3A_174 : i32 to vector<16xi32>
    %select_n3A_176 = arith.select %lt3A_173, %get3A_170, %broadcast_in_dim3A_175 : vector<16xi1>, vector<16xi32>
    %add3A_177 = arith.addi %add3A_166, %select_n3A_176 : vector<16xi32>
    %get3A_178 = arith.constant 16 : i32
    %get3A_179 = arith.index_cast %get3A_178 : i32 to index
    %get3A_180 = arith.constant 0 : index
    %get3A_181 = tpu.vector_load %arg8[%get3A_179, %get3A_180] {strides = array<i32>} : memref<32x64xi32, #tpu.memory_space<vmem>>, vector<16xi32>,
    %broadcast_in_dim3A_182 = arith.constant 16 : i32
    %broadcast_in_dim3A_183 = vector.broadcast %broadcast_in_dim3A_182 : i32 to vector<16xi32>
    %lt3A_184 = arith.cmpi slt, %broadcast_in_dim3A_183, %broadcast_in_dim3A : vector<16xi32>
    %broadcast_in_dim3A_185 = arith.constant 0 : i32
    %broadcast_in_dim3A_186 = vector.broadcast %broadcast_in_dim3A_185 : i32 to vector<16xi32>
    %select_n3A_187 = arith.select %lt3A_184, %get3A_181, %broadcast_in_dim3A_186 : vector<16xi1>, vector<16xi32>
    %add3A_188 = arith.addi %add3A_177, %select_n3A_187 : vector<16xi32>
    %get3A_189 = arith.constant 17 : i32
    %get3A_190 = arith.index_cast %get3A_189 : i32 to index
    %get3A_191 = arith.constant 0 : index
    %get3A_192 = tpu.vector_load %arg8[%get3A_190, %get3A_191] {strides = array<i32>} : memref<32x64xi32, #tpu.memory_space<vmem>>, vector<16xi32>,
    %broadcast_in_dim3A_193 = arith.constant 17 : i32
    %broadcast_in_dim3A_194 = vector.broadcast %broadcast_in_dim3A_193 : i32 to vector<16xi32>
    %lt3A_195 = arith.cmpi slt, %broadcast_in_dim3A_194, %broadcast_in_dim3A : vector<16xi32>
    %broadcast_in_dim3A_196 = arith.constant 0 : i32
    %broadcast_in_dim3A_197 = vector.broadcast %broadcast_in_dim3A_196 : i32 to vector<16xi32>
    %select_n3A_198 = arith.select %lt3A_195, %get3A_192, %broadcast_in_dim3A_197 : vector<16xi1>, vector<16xi32>
    %add3A_199 = arith.addi %add3A_188, %select_n3A_198 : vector<16xi32>
    %get3A_200 = arith.constant 18 : i32
    %get3A_201 = arith.index_cast %get3A_200 : i32 to index
    %get3A_202 = arith.constant 0 : index
    %get3A_203 = tpu.vector_load %arg8[%get3A_201, %get3A_202] {strides = array<i32>} : memref<32x64xi32, #tpu.memory_space<vmem>>, vector<16xi32>,
    %broadcast_in_dim3A_204 = arith.constant 18 : i32
    %broadcast_in_dim3A_205 = vector.broadcast %broadcast_in_dim3A_204 : i32 to vector<16xi32>
    %lt3A_206 = arith.cmpi slt, %broadcast_in_dim3A_205, %broadcast_in_dim3A : vector<16xi32>
    %broadcast_in_dim3A_207 = arith.constant 0 : i32
    %broadcast_in_dim3A_208 = vector.broadcast %broadcast_in_dim3A_207 : i32 to vector<16xi32>
    %select_n3A_209 = arith.select %lt3A_206, %get3A_203, %broadcast_in_dim3A_208 : vector<16xi1>, vector<16xi32>
    %add3A_210 = arith.addi %add3A_199, %select_n3A_209 : vector<16xi32>
    %get3A_211 = arith.constant 19 : i32
    %get3A_212 = arith.index_cast %get3A_211 : i32 to index
    %get3A_213 = arith.constant 0 : index
    %get3A_214 = tpu.vector_load %arg8[%get3A_212, %get3A_213] {strides = array<i32>} : memref<32x64xi32, #tpu.memory_space<vmem>>, vector<16xi32>,
    %broadcast_in_dim3A_215 = arith.constant 19 : i32
    %broadcast_in_dim3A_216 = vector.broadcast %broadcast_in_dim3A_215 : i32 to vector<16xi32>
    %lt3A_217 = arith.cmpi slt, %broadcast_in_dim3A_216, %broadcast_in_dim3A : vector<16xi32>
    %broadcast_in_dim3A_218 = arith.constant 0 : i32
    %broadcast_in_dim3A_219 = vector.broadcast %broadcast_in_dim3A_218 : i32 to vector<16xi32>
    %select_n3A_220 = arith.select %lt3A_217, %get3A_214, %broadcast_in_dim3A_219 : vector<16xi1>, vector<16xi32>
    %add3A_221 = arith.addi %add3A_210, %select_n3A_220 : vector<16xi32>
    %get3A_222 = arith.constant 20 : i32
    %get3A_223 = arith.index_cast %get3A_222 : i32 to index
    %get3A_224 = arith.constant 0 : index
    %get3A_225 = tpu.vector_load %arg8[%get3A_223, %get3A_224] {strides = array<i32>} : memref<32x64xi32, #tpu.memory_space<vmem>>, vector<16xi32>,
    %broadcast_in_dim3A_226 = arith.constant 20 : i32
    %broadcast_in_dim3A_227 = vector.broadcast %broadcast_in_dim3A_226 : i32 to vector<16xi32>
    %lt3A_228 = arith.cmpi slt, %broadcast_in_dim3A_227, %broadcast_in_dim3A : vector<16xi32>
    %broadcast_in_dim3A_229 = arith.constant 0 : i32
    %broadcast_in_dim3A_230 = vector.broadcast %broadcast_in_dim3A_229 : i32 to vector<16xi32>
    %select_n3A_231 = arith.select %lt3A_228, %get3A_225, %broadcast_in_dim3A_230 : vector<16xi1>, vector<16xi32>
    %add3A_232 = arith.addi %add3A_221, %select_n3A_231 : vector<16xi32>
    %get3A_233 = arith.constant 21 : i32
    %get3A_234 = arith.index_cast %get3A_233 : i32 to index
    %get3A_235 = arith.constant 0 : index
    %get3A_236 = tpu.vector_load %arg8[%get3A_234, %get3A_235] {strides = array<i32>} : memref<32x64xi32, #tpu.memory_space<vmem>>, vector<16xi32>,
    %broadcast_in_dim3A_237 = arith.constant 21 : i32
    %broadcast_in_dim3A_238 = vector.broadcast %broadcast_in_dim3A_237 : i32 to vector<16xi32>
    %lt3A_239 = arith.cmpi slt, %broadcast_in_dim3A_238, %broadcast_in_dim3A : vector<16xi32>
    %broadcast_in_dim3A_240 = arith.constant 0 : i32
    %broadcast_in_dim3A_241 = vector.broadcast %broadcast_in_dim3A_240 : i32 to vector<16xi32>
    %select_n3A_242 = arith.select %lt3A_239, %get3A_236, %broadcast_in_dim3A_241 : vector<16xi1>, vector<16xi32>
    %add3A_243 = arith.addi %add3A_232, %select_n3A_242 : vector<16xi32>
    %get3A_244 = arith.constant 22 : i32
    %get3A_245 = arith.index_cast %get3A_244 : i32 to index
    %get3A_246 = arith.constant 0 : index
    %get3A_247 = tpu.vector_load %arg8[%get3A_245, %get3A_246] {strides = array<i32>} : memref<32x64xi32, #tpu.memory_space<vmem>>, vector<16xi32>,
    %broadcast_in_dim3A_248 = arith.constant 22 : i32
    %broadcast_in_dim3A_249 = vector.broadcast %broadcast_in_dim3A_248 : i32 to vector<16xi32>
    %lt3A_250 = arith.cmpi slt, %broadcast_in_dim3A_249, %broadcast_in_dim3A : vector<16xi32>
    %broadcast_in_dim3A_251 = arith.constant 0 : i32
    %broadcast_in_dim3A_252 = vector.broadcast %broadcast_in_dim3A_251 : i32 to vector<16xi32>
    %select_n3A_253 = arith.select %lt3A_250, %get3A_247, %broadcast_in_dim3A_252 : vector<16xi1>, vector<16xi32>
    %add3A_254 = arith.addi %add3A_243, %select_n3A_253 : vector<16xi32>
    %get3A_255 = arith.constant 23 : i32
    %get3A_256 = arith.index_cast %get3A_255 : i32 to index
    %get3A_257 = arith.constant 0 : index
    %get3A_258 = tpu.vector_load %arg8[%get3A_256, %get3A_257] {strides = array<i32>} : memref<32x64xi32, #tpu.memory_space<vmem>>, vector<16xi32>,
    %broadcast_in_dim3A_259 = arith.constant 23 : i32
    %broadcast_in_dim3A_260 = vector.broadcast %broadcast_in_dim3A_259 : i32 to vector<16xi32>
    %lt3A_261 = arith.cmpi slt, %broadcast_in_dim3A_260, %broadcast_in_dim3A : vector<16xi32>
    %broadcast_in_dim3A_262 = arith.constant 0 : i32
    %broadcast_in_dim3A_263 = vector.broadcast %broadcast_in_dim3A_262 : i32 to vector<16xi32>
    %select_n3A_264 = arith.select %lt3A_261, %get3A_258, %broadcast_in_dim3A_263 : vector<16xi1>, vector<16xi32>
    %add3A_265 = arith.addi %add3A_254, %select_n3A_264 : vector<16xi32>
    %get3A_266 = arith.constant 24 : i32
    %get3A_267 = arith.index_cast %get3A_266 : i32 to index
    %get3A_268 = arith.constant 0 : index
    %get3A_269 = tpu.vector_load %arg8[%get3A_267, %get3A_268] {strides = array<i32>} : memref<32x64xi32, #tpu.memory_space<vmem>>, vector<16xi32>,
    %broadcast_in_dim3A_270 = arith.constant 24 : i32
    %broadcast_in_dim3A_271 = vector.broadcast %broadcast_in_dim3A_270 : i32 to vector<16xi32>
    %lt3A_272 = arith.cmpi slt, %broadcast_in_dim3A_271, %broadcast_in_dim3A : vector<16xi32>
    %broadcast_in_dim3A_273 = arith.constant 0 : i32
    %broadcast_in_dim3A_274 = vector.broadcast %broadcast_in_dim3A_273 : i32 to vector<16xi32>
    %select_n3A_275 = arith.select %lt3A_272, %get3A_269, %broadcast_in_dim3A_274 : vector<16xi1>, vector<16xi32>
    %add3A_276 = arith.addi %add3A_265, %select_n3A_275 : vector<16xi32>
    %get3A_277 = arith.constant 25 : i32
    %get3A_278 = arith.index_cast %get3A_277 : i32 to index
    %get3A_279 = arith.constant 0 : index
    %get3A_280 = tpu.vector_load %arg8[%get3A_278, %get3A_279] {strides = array<i32>} : memref<32x64xi32, #tpu.memory_space<vmem>>, vector<16xi32>,
    %broadcast_in_dim3A_281 = arith.constant 25 : i32
    %broadcast_in_dim3A_282 = vector.broadcast %broadcast_in_dim3A_281 : i32 to vector<16xi32>
    %lt3A_283 = arith.cmpi slt, %broadcast_in_dim3A_282, %broadcast_in_dim3A : vector<16xi32>
    %broadcast_in_dim3A_284 = arith.constant 0 : i32
    %broadcast_in_dim3A_285 = vector.broadcast %broadcast_in_dim3A_284 : i32 to vector<16xi32>
    %select_n3A_286 = arith.select %lt3A_283, %get3A_280, %broadcast_in_dim3A_285 : vector<16xi1>, vector<16xi32>
    %add3A_287 = arith.addi %add3A_276, %select_n3A_286 : vector<16xi32>
    %get3A_288 = arith.constant 26 : i32
    %get3A_289 = arith.index_cast %get3A_288 : i32 to index
    %get3A_290 = arith.constant 0 : index
    %get3A_291 = tpu.vector_load %arg8[%get3A_289, %get3A_290] {strides = array<i32>} : memref<32x64xi32, #tpu.memory_space<vmem>>, vector<16xi32>,
    %broadcast_in_dim3A_292 = arith.constant 26 : i32
    %broadcast_in_dim3A_293 = vector.broadcast %broadcast_in_dim3A_292 : i32 to vector<16xi32>
    %lt3A_294 = arith.cmpi slt, %broadcast_in_dim3A_293, %broadcast_in_dim3A : vector<16xi32>
    %broadcast_in_dim3A_295 = arith.constant 0 : i32
    %broadcast_in_dim3A_296 = vector.broadcast %broadcast_in_dim3A_295 : i32 to vector<16xi32>
    %select_n3A_297 = arith.select %lt3A_294, %get3A_291, %broadcast_in_dim3A_296 : vector<16xi1>, vector<16xi32>
    %add3A_298 = arith.addi %add3A_287, %select_n3A_297 : vector<16xi32>
    %get3A_299 = arith.constant 27 : i32
    %get3A_300 = arith.index_cast %get3A_299 : i32 to index
    %get3A_301 = arith.constant 0 : index
    %get3A_302 = tpu.vector_load %arg8[%get3A_300, %get3A_301] {strides = array<i32>} : memref<32x64xi32, #tpu.memory_space<vmem>>, vector<16xi32>,
    %broadcast_in_dim3A_303 = arith.constant 27 : i32
    %broadcast_in_dim3A_304 = vector.broadcast %broadcast_in_dim3A_303 : i32 to vector<16xi32>
    %lt3A_305 = arith.cmpi slt, %broadcast_in_dim3A_304, %broadcast_in_dim3A : vector<16xi32>
    %broadcast_in_dim3A_306 = arith.constant 0 : i32
    %broadcast_in_dim3A_307 = vector.broadcast %broadcast_in_dim3A_306 : i32 to vector<16xi32>
    %select_n3A_308 = arith.select %lt3A_305, %get3A_302, %broadcast_in_dim3A_307 : vector<16xi1>, vector<16xi32>
    %add3A_309 = arith.addi %add3A_298, %select_n3A_308 : vector<16xi32>
    %get3A_310 = arith.constant 28 : i32
    %get3A_311 = arith.index_cast %get3A_310 : i32 to index
    %get3A_312 = arith.constant 0 : index
    %get3A_313 = tpu.vector_load %arg8[%get3A_311, %get3A_312] {strides = array<i32>} : memref<32x64xi32, #tpu.memory_space<vmem>>, vector<16xi32>,
    %broadcast_in_dim3A_314 = arith.constant 28 : i32
    %broadcast_in_dim3A_315 = vector.broadcast %broadcast_in_dim3A_314 : i32 to vector<16xi32>
    %lt3A_316 = arith.cmpi slt, %broadcast_in_dim3A_315, %broadcast_in_dim3A : vector<16xi32>
    %broadcast_in_dim3A_317 = arith.constant 0 : i32
    %broadcast_in_dim3A_318 = vector.broadcast %broadcast_in_dim3A_317 : i32 to vector<16xi32>
    %select_n3A_319 = arith.select %lt3A_316, %get3A_313, %broadcast_in_dim3A_318 : vector<16xi1>, vector<16xi32>
    %add3A_320 = arith.addi %add3A_309, %select_n3A_319 : vector<16xi32>
    %get3A_321 = arith.constant 29 : i32
    %get3A_322 = arith.index_cast %get3A_321 : i32 to index
    %get3A_323 = arith.constant 0 : index
    %get3A_324 = tpu.vector_load %arg8[%get3A_322, %get3A_323] {strides = array<i32>} : memref<32x64xi32, #tpu.memory_space<vmem>>, vector<16xi32>,
    %broadcast_in_dim3A_325 = arith.constant 29 : i32
    %broadcast_in_dim3A_326 = vector.broadcast %broadcast_in_dim3A_325 : i32 to vector<16xi32>
    %lt3A_327 = arith.cmpi slt, %broadcast_in_dim3A_326, %broadcast_in_dim3A : vector<16xi32>
    %broadcast_in_dim3A_328 = arith.constant 0 : i32
    %broadcast_in_dim3A_329 = vector.broadcast %broadcast_in_dim3A_328 : i32 to vector<16xi32>
    %select_n3A_330 = arith.select %lt3A_327, %get3A_324, %broadcast_in_dim3A_329 : vector<16xi1>, vector<16xi32>
    %add3A_331 = arith.addi %add3A_320, %select_n3A_330 : vector<16xi32>
    %get3A_332 = arith.constant 30 : i32
    %get3A_333 = arith.index_cast %get3A_332 : i32 to index
    %get3A_334 = arith.constant 0 : index
    %get3A_335 = tpu.vector_load %arg8[%get3A_333, %get3A_334] {strides = array<i32>} : memref<32x64xi32, #tpu.memory_space<vmem>>, vector<16xi32>,
    %broadcast_in_dim3A_336 = arith.constant 30 : i32
    %broadcast_in_dim3A_337 = vector.broadcast %broadcast_in_dim3A_336 : i32 to vector<16xi32>
    %lt3A_338 = arith.cmpi slt, %broadcast_in_dim3A_337, %broadcast_in_dim3A : vector<16xi32>
    %broadcast_in_dim3A_339 = arith.constant 0 : i32
    %broadcast_in_dim3A_340 = vector.broadcast %broadcast_in_dim3A_339 : i32 to vector<16xi32>
    %select_n3A_341 = arith.select %lt3A_338, %get3A_335, %broadcast_in_dim3A_340 : vector<16xi1>, vector<16xi32>
    %add3A_342 = arith.addi %add3A_331, %select_n3A_341 : vector<16xi32>
    %swap3A = arith.constant 0 : index
    %swap3A_343 = tpu.vector_load %arg9[%swap3A] {strides = array<i32>} : memref<64xi32, #tpu.memory_space<vmem>>, vector<16xi32>,
    tpu.vector_store %arg9[%swap3A], %add3A_342 {strides = array<i32>} : memref<64xi32, #tpu.memory_space<vmem>>, vector<16xi32>,
    %broadcast_in_dim3A_344 = arith.constant 0 : i32
    %broadcast_in_dim3A_345 = vector.broadcast %broadcast_in_dim3A_344 : i32 to vector<16xi32>
    %get3A_346 = arith.constant 0 : i32
    %get3A_347 = arith.index_cast %get3A_346 : i32 to index
    %get3A_348 = arith.constant 16 : index
    %get3A_349 = tpu.vector_load %arg8[%get3A_347, %get3A_348] {strides = array<i32>} : memref<32x64xi32, #tpu.memory_space<vmem>>, vector<16xi32>,
    %broadcast_in_dim3A_350 = arith.constant 0 : i32
    %broadcast_in_dim3A_351 = vector.broadcast %broadcast_in_dim3A_350 : i32 to vector<16xi32>
    %lt3A_352 = arith.cmpi slt, %broadcast_in_dim3A_351, %broadcast_in_dim3A : vector<16xi32>
    %broadcast_in_dim3A_353 = arith.constant 0 : i32
    %broadcast_in_dim3A_354 = vector.broadcast %broadcast_in_dim3A_353 : i32 to vector<16xi32>
    %select_n3A_355 = arith.select %lt3A_352, %get3A_349, %broadcast_in_dim3A_354 : vector<16xi1>, vector<16xi32>
    %add3A_356 = arith.addi %broadcast_in_dim3A_345, %select_n3A_355 : vector<16xi32>
    %get3A_357 = arith.constant 1 : i32
    %get3A_358 = arith.index_cast %get3A_357 : i32 to index
    %get3A_359 = arith.constant 16 : index
    %get3A_360 = tpu.vector_load %arg8[%get3A_358, %get3A_359] {strides = array<i32>} : memref<32x64xi32, #tpu.memory_space<vmem>>, vector<16xi32>,
    %broadcast_in_dim3A_361 = arith.constant 1 : i32
    %broadcast_in_dim3A_362 = vector.broadcast %broadcast_in_dim3A_361 : i32 to vector<16xi32>
    %lt3A_363 = arith.cmpi slt, %broadcast_in_dim3A_362, %broadcast_in_dim3A : vector<16xi32>
    %broadcast_in_dim3A_364 = arith.constant 0 : i32
    %broadcast_in_dim3A_365 = vector.broadcast %broadcast_in_dim3A_364 : i32 to vector<16xi32>
    %select_n3A_366 = arith.select %lt3A_363, %get3A_360, %broadcast_in_dim3A_365 : vector<16xi1>, vector<16xi32>
    %add3A_367 = arith.addi %add3A_356, %select_n3A_366 : vector<16xi32>
    %get3A_368 = arith.constant 2 : i32
    %get3A_369 = arith.index_cast %get3A_368 : i32 to index
    %get3A_370 = arith.constant 16 : index
    %get3A_371 = tpu.vector_load %arg8[%get3A_369, %get3A_370] {strides = array<i32>} : memref<32x64xi32, #tpu.memory_space<vmem>>, vector<16xi32>,
    %broadcast_in_dim3A_372 = arith.constant 2 : i32
    %broadcast_in_dim3A_373 = vector.broadcast %broadcast_in_dim3A_372 : i32 to vector<16xi32>
    %lt3A_374 = arith.cmpi slt, %broadcast_in_dim3A_373, %broadcast_in_dim3A : vector<16xi32>
    %broadcast_in_dim3A_375 = arith.constant 0 : i32
    %broadcast_in_dim3A_376 = vector.broadcast %broadcast_in_dim3A_375 : i32 to vector<16xi32>
    %select_n3A_377 = arith.select %lt3A_374, %get3A_371, %broadcast_in_dim3A_376 : vector<16xi1>, vector<16xi32>
    %add3A_378 = arith.addi %add3A_367, %select_n3A_377 : vector<16xi32>
    %get3A_379 = arith.constant 3 : i32
    %get3A_380 = arith.index_cast %get3A_379 : i32 to index
    %get3A_381 = arith.constant 16 : index
    %get3A_382 = tpu.vector_load %arg8[%get3A_380, %get3A_381] {strides = array<i32>} : memref<32x64xi32, #tpu.memory_space<vmem>>, vector<16xi32>,
    %broadcast_in_dim3A_383 = arith.constant 3 : i32
    %broadcast_in_dim3A_384 = vector.broadcast %broadcast_in_dim3A_383 : i32 to vector<16xi32>
    %lt3A_385 = arith.cmpi slt, %broadcast_in_dim3A_384, %broadcast_in_dim3A : vector<16xi32>
    %broadcast_in_dim3A_386 = arith.constant 0 : i32
    %broadcast_in_dim3A_387 = vector.broadcast %broadcast_in_dim3A_386 : i32 to vector<16xi32>
    %select_n3A_388 = arith.select %lt3A_385, %get3A_382, %broadcast_in_dim3A_387 : vector<16xi1>, vector<16xi32>
    %add3A_389 = arith.addi %add3A_378, %select_n3A_388 : vector<16xi32>
    %get3A_390 = arith.constant 4 : i32
    %get3A_391 = arith.index_cast %get3A_390 : i32 to index
    %get3A_392 = arith.constant 16 : index
    %get3A_393 = tpu.vector_load %arg8[%get3A_391, %get3A_392] {strides = array<i32>} : memref<32x64xi32, #tpu.memory_space<vmem>>, vector<16xi32>,
    %broadcast_in_dim3A_394 = arith.constant 4 : i32
    %broadcast_in_dim3A_395 = vector.broadcast %broadcast_in_dim3A_394 : i32 to vector<16xi32>
    %lt3A_396 = arith.cmpi slt, %broadcast_in_dim3A_395, %broadcast_in_dim3A : vector<16xi32>
    %broadcast_in_dim3A_397 = arith.constant 0 : i32
    %broadcast_in_dim3A_398 = vector.broadcast %broadcast_in_dim3A_397 : i32 to vector<16xi32>
    %select_n3A_399 = arith.select %lt3A_396, %get3A_393, %broadcast_in_dim3A_398 : vector<16xi1>, vector<16xi32>
    %add3A_400 = arith.addi %add3A_389, %select_n3A_399 : vector<16xi32>
    %get3A_401 = arith.constant 5 : i32
    %get3A_402 = arith.index_cast %get3A_401 : i32 to index
    %get3A_403 = arith.constant 16 : index
    %get3A_404 = tpu.vector_load %arg8[%get3A_402, %get3A_403] {strides = array<i32>} : memref<32x64xi32, #tpu.memory_space<vmem>>, vector<16xi32>,
    %broadcast_in_dim3A_405 = arith.constant 5 : i32
    %broadcast_in_dim3A_406 = vector.broadcast %broadcast_in_dim3A_405 : i32 to vector<16xi32>
    %lt3A_407 = arith.cmpi slt, %broadcast_in_dim3A_406, %broadcast_in_dim3A : vector<16xi32>
    %broadcast_in_dim3A_408 = arith.constant 0 : i32
    %broadcast_in_dim3A_409 = vector.broadcast %broadcast_in_dim3A_408 : i32 to vector<16xi32>
    %select_n3A_410 = arith.select %lt3A_407, %get3A_404, %broadcast_in_dim3A_409 : vector<16xi1>, vector<16xi32>
    %add3A_411 = arith.addi %add3A_400, %select_n3A_410 : vector<16xi32>
    %get3A_412 = arith.constant 6 : i32
    %get3A_413 = arith.index_cast %get3A_412 : i32 to index
    %get3A_414 = arith.constant 16 : index
    %get3A_415 = tpu.vector_load %arg8[%get3A_413, %get3A_414] {strides = array<i32>} : memref<32x64xi32, #tpu.memory_space<vmem>>, vector<16xi32>,
    %broadcast_in_dim3A_416 = arith.constant 6 : i32
    %broadcast_in_dim3A_417 = vector.broadcast %broadcast_in_dim3A_416 : i32 to vector<16xi32>
    %lt3A_418 = arith.cmpi slt, %broadcast_in_dim3A_417, %broadcast_in_dim3A : vector<16xi32>
    %broadcast_in_dim3A_419 = arith.constant 0 : i32
    %broadcast_in_dim3A_420 = vector.broadcast %broadcast_in_dim3A_419 : i32 to vector<16xi32>
    %select_n3A_421 = arith.select %lt3A_418, %get3A_415, %broadcast_in_dim3A_420 : vector<16xi1>, vector<16xi32>
    %add3A_422 = arith.addi %add3A_411, %select_n3A_421 : vector<16xi32>
    %get3A_423 = arith.constant 7 : i32
    %get3A_424 = arith.index_cast %get3A_423 : i32 to index
    %get3A_425 = arith.constant 16 : index
    %get3A_426 = tpu.vector_load %arg8[%get3A_424, %get3A_425] {strides = array<i32>} : memref<32x64xi32, #tpu.memory_space<vmem>>, vector<16xi32>,
    %broadcast_in_dim3A_427 = arith.constant 7 : i32
    %broadcast_in_dim3A_428 = vector.broadcast %broadcast_in_dim3A_427 : i32 to vector<16xi32>
    %lt3A_429 = arith.cmpi slt, %broadcast_in_dim3A_428, %broadcast_in_dim3A : vector<16xi32>
    %broadcast_in_dim3A_430 = arith.constant 0 : i32
    %broadcast_in_dim3A_431 = vector.broadcast %broadcast_in_dim3A_430 : i32 to vector<16xi32>
    %select_n3A_432 = arith.select %lt3A_429, %get3A_426, %broadcast_in_dim3A_431 : vector<16xi1>, vector<16xi32>
    %add3A_433 = arith.addi %add3A_422, %select_n3A_432 : vector<16xi32>
    %get3A_434 = arith.constant 8 : i32
    %get3A_435 = arith.index_cast %get3A_434 : i32 to index
    %get3A_436 = arith.constant 16 : index
    %get3A_437 = tpu.vector_load %arg8[%get3A_435, %get3A_436] {strides = array<i32>} : memref<32x64xi32, #tpu.memory_space<vmem>>, vector<16xi32>,
    %broadcast_in_dim3A_438 = arith.constant 8 : i32
    %broadcast_in_dim3A_439 = vector.broadcast %broadcast_in_dim3A_438 : i32 to vector<16xi32>
    %lt3A_440 = arith.cmpi slt, %broadcast_in_dim3A_439, %broadcast_in_dim3A : vector<16xi32>
    %broadcast_in_dim3A_441 = arith.constant 0 : i32
    %broadcast_in_dim3A_442 = vector.broadcast %broadcast_in_dim3A_441 : i32 to vector<16xi32>
    %select_n3A_443 = arith.select %lt3A_440, %get3A_437, %broadcast_in_dim3A_442 : vector<16xi1>, vector<16xi32>
    %add3A_444 = arith.addi %add3A_433, %select_n3A_443 : vector<16xi32>
    %get3A_445 = arith.constant 9 : i32
    %get3A_446 = arith.index_cast %get3A_445 : i32 to index
    %get3A_447 = arith.constant 16 : index
    %get3A_448 = tpu.vector_load %arg8[%get3A_446, %get3A_447] {strides = array<i32>} : memref<32x64xi32, #tpu.memory_space<vmem>>, vector<16xi32>,
    %broadcast_in_dim3A_449 = arith.constant 9 : i32
    %broadcast_in_dim3A_450 = vector.broadcast %broadcast_in_dim3A_449 : i32 to vector<16xi32>
    %lt3A_451 = arith.cmpi slt, %broadcast_in_dim3A_450, %broadcast_in_dim3A : vector<16xi32>
    %broadcast_in_dim3A_452 = arith.constant 0 : i32
    %broadcast_in_dim3A_453 = vector.broadcast %broadcast_in_dim3A_452 : i32 to vector<16xi32>
    %select_n3A_454 = arith.select %lt3A_451, %get3A_448, %broadcast_in_dim3A_453 : vector<16xi1>, vector<16xi32>
    %add3A_455 = arith.addi %add3A_444, %select_n3A_454 : vector<16xi32>
    %get3A_456 = arith.constant 10 : i32
    %get3A_457 = arith.index_cast %get3A_456 : i32 to index
    %get3A_458 = arith.constant 16 : index
    %get3A_459 = tpu.vector_load %arg8[%get3A_457, %get3A_458] {strides = array<i32>} : memref<32x64xi32, #tpu.memory_space<vmem>>, vector<16xi32>,
    %broadcast_in_dim3A_460 = arith.constant 10 : i32
    %broadcast_in_dim3A_461 = vector.broadcast %broadcast_in_dim3A_460 : i32 to vector<16xi32>
    %lt3A_462 = arith.cmpi slt, %broadcast_in_dim3A_461, %broadcast_in_dim3A : vector<16xi32>
    %broadcast_in_dim3A_463 = arith.constant 0 : i32
    %broadcast_in_dim3A_464 = vector.broadcast %broadcast_in_dim3A_463 : i32 to vector<16xi32>
    %select_n3A_465 = arith.select %lt3A_462, %get3A_459, %broadcast_in_dim3A_464 : vector<16xi1>, vector<16xi32>
    %add3A_466 = arith.addi %add3A_455, %select_n3A_465 : vector<16xi32>
    %get3A_467 = arith.constant 11 : i32
    %get3A_468 = arith.index_cast %get3A_467 : i32 to index
    %get3A_469 = arith.constant 16 : index
    %get3A_470 = tpu.vector_load %arg8[%get3A_468, %get3A_469] {strides = array<i32>} : memref<32x64xi32, #tpu.memory_space<vmem>>, vector<16xi32>,
    %broadcast_in_dim3A_471 = arith.constant 11 : i32
    %broadcast_in_dim3A_472 = vector.broadcast %broadcast_in_dim3A_471 : i32 to vector<16xi32>
    %lt3A_473 = arith.cmpi slt, %broadcast_in_dim3A_472, %broadcast_in_dim3A : vector<16xi32>
    %broadcast_in_dim3A_474 = arith.constant 0 : i32
    %broadcast_in_dim3A_475 = vector.broadcast %broadcast_in_dim3A_474 : i32 to vector<16xi32>
    %select_n3A_476 = arith.select %lt3A_473, %get3A_470, %broadcast_in_dim3A_475 : vector<16xi1>, vector<16xi32>
    %add3A_477 = arith.addi %add3A_466, %select_n3A_476 : vector<16xi32>
    %get3A_478 = arith.constant 12 : i32
    %get3A_479 = arith.index_cast %get3A_478 : i32 to index
    %get3A_480 = arith.constant 16 : index
    %get3A_481 = tpu.vector_load %arg8[%get3A_479, %get3A_480] {strides = array<i32>} : memref<32x64xi32, #tpu.memory_space<vmem>>, vector<16xi32>,
    %broadcast_in_dim3A_482 = arith.constant 12 : i32
    %broadcast_in_dim3A_483 = vector.broadcast %broadcast_in_dim3A_482 : i32 to vector<16xi32>
    %lt3A_484 = arith.cmpi slt, %broadcast_in_dim3A_483, %broadcast_in_dim3A : vector<16xi32>
    %broadcast_in_dim3A_485 = arith.constant 0 : i32
    %broadcast_in_dim3A_486 = vector.broadcast %broadcast_in_dim3A_485 : i32 to vector<16xi32>
    %select_n3A_487 = arith.select %lt3A_484, %get3A_481, %broadcast_in_dim3A_486 : vector<16xi1>, vector<16xi32>
    %add3A_488 = arith.addi %add3A_477, %select_n3A_487 : vector<16xi32>
    %get3A_489 = arith.constant 13 : i32
    %get3A_490 = arith.index_cast %get3A_489 : i32 to index
    %get3A_491 = arith.constant 16 : index
    %get3A_492 = tpu.vector_load %arg8[%get3A_490, %get3A_491] {strides = array<i32>} : memref<32x64xi32, #tpu.memory_space<vmem>>, vector<16xi32>,
    %broadcast_in_dim3A_493 = arith.constant 13 : i32
    %broadcast_in_dim3A_494 = vector.broadcast %broadcast_in_dim3A_493 : i32 to vector<16xi32>
    %lt3A_495 = arith.cmpi slt, %broadcast_in_dim3A_494, %broadcast_in_dim3A : vector<16xi32>
    %broadcast_in_dim3A_496 = arith.constant 0 : i32
    %broadcast_in_dim3A_497 = vector.broadcast %broadcast_in_dim3A_496 : i32 to vector<16xi32>
    %select_n3A_498 = arith.select %lt3A_495, %get3A_492, %broadcast_in_dim3A_497 : vector<16xi1>, vector<16xi32>
    %add3A_499 = arith.addi %add3A_488, %select_n3A_498 : vector<16xi32>
    %get3A_500 = arith.constant 14 : i32
    %get3A_501 = arith.index_cast %get3A_500 : i32 to index
    %get3A_502 = arith.constant 16 : index
    %get3A_503 = tpu.vector_load %arg8[%get3A_501, %get3A_502] {strides = array<i32>} : memref<32x64xi32, #tpu.memory_space<vmem>>, vector<16xi32>,
    %broadcast_in_dim3A_504 = arith.constant 14 : i32
    %broadcast_in_dim3A_505 = vector.broadcast %broadcast_in_dim3A_504 : i32 to vector<16xi32>
    %lt3A_506 = arith.cmpi slt, %broadcast_in_dim3A_505, %broadcast_in_dim3A : vector<16xi32>
    %broadcast_in_dim3A_507 = arith.constant 0 : i32
    %broadcast_in_dim3A_508 = vector.broadcast %broadcast_in_dim3A_507 : i32 to vector<16xi32>
    %select_n3A_509 = arith.select %lt3A_506, %get3A_503, %broadcast_in_dim3A_508 : vector<16xi1>, vector<16xi32>
    %add3A_510 = arith.addi %add3A_499, %select_n3A_509 : vector<16xi32>
    %get3A_511 = arith.constant 15 : i32
    %get3A_512 = arith.index_cast %get3A_511 : i32 to index
    %get3A_513 = arith.constant 16 : index
    %get3A_514 = tpu.vector_load %arg8[%get3A_512, %get3A_513] {strides = array<i32>} : memref<32x64xi32, #tpu.memory_space<vmem>>, vector<16xi32>,
    %broadcast_in_dim3A_515 = arith.constant 15 : i32
    %broadcast_in_dim3A_516 = vector.broadcast %broadcast_in_dim3A_515 : i32 to vector<16xi32>
    %lt3A_517 = arith.cmpi slt, %broadcast_in_dim3A_516, %broadcast_in_dim3A : vector<16xi32>
    %broadcast_in_dim3A_518 = arith.constant 0 : i32
    %broadcast_in_dim3A_519 = vector.broadcast %broadcast_in_dim3A_518 : i32 to vector<16xi32>
    %select_n3A_520 = arith.select %lt3A_517, %get3A_514, %broadcast_in_dim3A_519 : vector<16xi1>, vector<16xi32>
    %add3A_521 = arith.addi %add3A_510, %select_n3A_520 : vector<16xi32>
    %get3A_522 = arith.constant 16 : i32
    %get3A_523 = arith.index_cast %get3A_522 : i32 to index
    %get3A_524 = arith.constant 16 : index
    %get3A_525 = tpu.vector_load %arg8[%get3A_523, %get3A_524] {strides = array<i32>} : memref<32x64xi32, #tpu.memory_space<vmem>>, vector<16xi32>,
    %broadcast_in_dim3A_526 = arith.constant 16 : i32
    %broadcast_in_dim3A_527 = vector.broadcast %broadcast_in_dim3A_526 : i32 to vector<16xi32>
    %lt3A_528 = arith.cmpi slt, %broadcast_in_dim3A_527, %broadcast_in_dim3A : vector<16xi32>
    %broadcast_in_dim3A_529 = arith.constant 0 : i32
    %broadcast_in_dim3A_530 = vector.broadcast %broadcast_in_dim3A_529 : i32 to vector<16xi32>
    %select_n3A_531 = arith.select %lt3A_528, %get3A_525, %broadcast_in_dim3A_530 : vector<16xi1>, vector<16xi32>
    %add3A_532 = arith.addi %add3A_521, %select_n3A_531 : vector<16xi32>
    %get3A_533 = arith.constant 17 : i32
    %get3A_534 = arith.index_cast %get3A_533 : i32 to index
    %get3A_535 = arith.constant 16 : index
    %get3A_536 = tpu.vector_load %arg8[%get3A_534, %get3A_535] {strides = array<i32>} : memref<32x64xi32, #tpu.memory_space<vmem>>, vector<16xi32>,
    %broadcast_in_dim3A_537 = arith.constant 17 : i32
    %broadcast_in_dim3A_538 = vector.broadcast %broadcast_in_dim3A_537 : i32 to vector<16xi32>
    %lt3A_539 = arith.cmpi slt, %broadcast_in_dim3A_538, %broadcast_in_dim3A : vector<16xi32>
    %broadcast_in_dim3A_540 = arith.constant 0 : i32
    %broadcast_in_dim3A_541 = vector.broadcast %broadcast_in_dim3A_540 : i32 to vector<16xi32>
    %select_n3A_542 = arith.select %lt3A_539, %get3A_536, %broadcast_in_dim3A_541 : vector<16xi1>, vector<16xi32>
    %add3A_543 = arith.addi %add3A_532, %select_n3A_542 : vector<16xi32>
    %get3A_544 = arith.constant 18 : i32
    %get3A_545 = arith.index_cast %get3A_544 : i32 to index
    %get3A_546 = arith.constant 16 : index
    %get3A_547 = tpu.vector_load %arg8[%get3A_545, %get3A_546] {strides = array<i32>} : memref<32x64xi32, #tpu.memory_space<vmem>>, vector<16xi32>,
    %broadcast_in_dim3A_548 = arith.constant 18 : i32
    %broadcast_in_dim3A_549 = vector.broadcast %broadcast_in_dim3A_548 : i32 to vector<16xi32>
    %lt3A_550 = arith.cmpi slt, %broadcast_in_dim3A_549, %broadcast_in_dim3A : vector<16xi32>
    %broadcast_in_dim3A_551 = arith.constant 0 : i32
    %broadcast_in_dim3A_552 = vector.broadcast %broadcast_in_dim3A_551 : i32 to vector<16xi32>
    %select_n3A_553 = arith.select %lt3A_550, %get3A_547, %broadcast_in_dim3A_552 : vector<16xi1>, vector<16xi32>
    %add3A_554 = arith.addi %add3A_543, %select_n3A_553 : vector<16xi32>
    %get3A_555 = arith.constant 19 : i32
    %get3A_556 = arith.index_cast %get3A_555 : i32 to index
    %get3A_557 = arith.constant 16 : index
    %get3A_558 = tpu.vector_load %arg8[%get3A_556, %get3A_557] {strides = array<i32>} : memref<32x64xi32, #tpu.memory_space<vmem>>, vector<16xi32>,
    %broadcast_in_dim3A_559 = arith.constant 19 : i32
    %broadcast_in_dim3A_560 = vector.broadcast %broadcast_in_dim3A_559 : i32 to vector<16xi32>
    %lt3A_561 = arith.cmpi slt, %broadcast_in_dim3A_560, %broadcast_in_dim3A : vector<16xi32>
    %broadcast_in_dim3A_562 = arith.constant 0 : i32
    %broadcast_in_dim3A_563 = vector.broadcast %broadcast_in_dim3A_562 : i32 to vector<16xi32>
    %select_n3A_564 = arith.select %lt3A_561, %get3A_558, %broadcast_in_dim3A_563 : vector<16xi1>, vector<16xi32>
    %add3A_565 = arith.addi %add3A_554, %select_n3A_564 : vector<16xi32>
    %get3A_566 = arith.constant 20 : i32
    %get3A_567 = arith.index_cast %get3A_566 : i32 to index
    %get3A_568 = arith.constant 16 : index
    %get3A_569 = tpu.vector_load %arg8[%get3A_567, %get3A_568] {strides = array<i32>} : memref<32x64xi32, #tpu.memory_space<vmem>>, vector<16xi32>,
    %broadcast_in_dim3A_570 = arith.constant 20 : i32
    %broadcast_in_dim3A_571 = vector.broadcast %broadcast_in_dim3A_570 : i32 to vector<16xi32>
    %lt3A_572 = arith.cmpi slt, %broadcast_in_dim3A_571, %broadcast_in_dim3A : vector<16xi32>
    %broadcast_in_dim3A_573 = arith.constant 0 : i32
    %broadcast_in_dim3A_574 = vector.broadcast %broadcast_in_dim3A_573 : i32 to vector<16xi32>
    %select_n3A_575 = arith.select %lt3A_572, %get3A_569, %broadcast_in_dim3A_574 : vector<16xi1>, vector<16xi32>
    %add3A_576 = arith.addi %add3A_565, %select_n3A_575 : vector<16xi32>
    %get3A_577 = arith.constant 21 : i32
    %get3A_578 = arith.index_cast %get3A_577 : i32 to index
    %get3A_579 = arith.constant 16 : index
    %get3A_580 = tpu.vector_load %arg8[%get3A_578, %get3A_579] {strides = array<i32>} : memref<32x64xi32, #tpu.memory_space<vmem>>, vector<16xi32>,
    %broadcast_in_dim3A_581 = arith.constant 21 : i32
    %broadcast_in_dim3A_582 = vector.broadcast %broadcast_in_dim3A_581 : i32 to vector<16xi32>
    %lt3A_583 = arith.cmpi slt, %broadcast_in_dim3A_582, %broadcast_in_dim3A : vector<16xi32>
    %broadcast_in_dim3A_584 = arith.constant 0 : i32
    %broadcast_in_dim3A_585 = vector.broadcast %broadcast_in_dim3A_584 : i32 to vector<16xi32>
    %select_n3A_586 = arith.select %lt3A_583, %get3A_580, %broadcast_in_dim3A_585 : vector<16xi1>, vector<16xi32>
    %add3A_587 = arith.addi %add3A_576, %select_n3A_586 : vector<16xi32>
    %get3A_588 = arith.constant 22 : i32
    %get3A_589 = arith.index_cast %get3A_588 : i32 to index
    %get3A_590 = arith.constant 16 : index
    %get3A_591 = tpu.vector_load %arg8[%get3A_589, %get3A_590] {strides = array<i32>} : memref<32x64xi32, #tpu.memory_space<vmem>>, vector<16xi32>,
    %broadcast_in_dim3A_592 = arith.constant 22 : i32
    %broadcast_in_dim3A_593 = vector.broadcast %broadcast_in_dim3A_592 : i32 to vector<16xi32>
    %lt3A_594 = arith.cmpi slt, %broadcast_in_dim3A_593, %broadcast_in_dim3A : vector<16xi32>
    %broadcast_in_dim3A_595 = arith.constant 0 : i32
    %broadcast_in_dim3A_596 = vector.broadcast %broadcast_in_dim3A_595 : i32 to vector<16xi32>
    %select_n3A_597 = arith.select %lt3A_594, %get3A_591, %broadcast_in_dim3A_596 : vector<16xi1>, vector<16xi32>
    %add3A_598 = arith.addi %add3A_587, %select_n3A_597 : vector<16xi32>
    %get3A_599 = arith.constant 23 : i32
    %get3A_600 = arith.index_cast %get3A_599 : i32 to index
    %get3A_601 = arith.constant 16 : index
    %get3A_602 = tpu.vector_load %arg8[%get3A_600, %get3A_601] {strides = array<i32>} : memref<32x64xi32, #tpu.memory_space<vmem>>, vector<16xi32>,
    %broadcast_in_dim3A_603 = arith.constant 23 : i32
    %broadcast_in_dim3A_604 = vector.broadcast %broadcast_in_dim3A_603 : i32 to vector<16xi32>
    %lt3A_605 = arith.cmpi slt, %broadcast_in_dim3A_604, %broadcast_in_dim3A : vector<16xi32>
    %broadcast_in_dim3A_606 = arith.constant 0 : i32
    %broadcast_in_dim3A_607 = vector.broadcast %broadcast_in_dim3A_606 : i32 to vector<16xi32>
    %select_n3A_608 = arith.select %lt3A_605, %get3A_602, %broadcast_in_dim3A_607 : vector<16xi1>, vector<16xi32>
    %add3A_609 = arith.addi %add3A_598, %select_n3A_608 : vector<16xi32>
    %get3A_610 = arith.constant 24 : i32
    %get3A_611 = arith.index_cast %get3A_610 : i32 to index
    %get3A_612 = arith.constant 16 : index
    %get3A_613 = tpu.vector_load %arg8[%get3A_611, %get3A_612] {strides = array<i32>} : memref<32x64xi32, #tpu.memory_space<vmem>>, vector<16xi32>,
    %broadcast_in_dim3A_614 = arith.constant 24 : i32
    %broadcast_in_dim3A_615 = vector.broadcast %broadcast_in_dim3A_614 : i32 to vector<16xi32>
    %lt3A_616 = arith.cmpi slt, %broadcast_in_dim3A_615, %broadcast_in_dim3A : vector<16xi32>
    %broadcast_in_dim3A_617 = arith.constant 0 : i32
    %broadcast_in_dim3A_618 = vector.broadcast %broadcast_in_dim3A_617 : i32 to vector<16xi32>
    %select_n3A_619 = arith.select %lt3A_616, %get3A_613, %broadcast_in_dim3A_618 : vector<16xi1>, vector<16xi32>
    %add3A_620 = arith.addi %add3A_609, %select_n3A_619 : vector<16xi32>
    %get3A_621 = arith.constant 25 : i32
    %get3A_622 = arith.index_cast %get3A_621 : i32 to index
    %get3A_623 = arith.constant 16 : index
    %get3A_624 = tpu.vector_load %arg8[%get3A_622, %get3A_623] {strides = array<i32>} : memref<32x64xi32, #tpu.memory_space<vmem>>, vector<16xi32>,
    %broadcast_in_dim3A_625 = arith.constant 25 : i32
    %broadcast_in_dim3A_626 = vector.broadcast %broadcast_in_dim3A_625 : i32 to vector<16xi32>
    %lt3A_627 = arith.cmpi slt, %broadcast_in_dim3A_626, %broadcast_in_dim3A : vector<16xi32>
    %broadcast_in_dim3A_628 = arith.constant 0 : i32
    %broadcast_in_dim3A_629 = vector.broadcast %broadcast_in_dim3A_628 : i32 to vector<16xi32>
    %select_n3A_630 = arith.select %lt3A_627, %get3A_624, %broadcast_in_dim3A_629 : vector<16xi1>, vector<16xi32>
    %add3A_631 = arith.addi %add3A_620, %select_n3A_630 : vector<16xi32>
    %get3A_632 = arith.constant 26 : i32
    %get3A_633 = arith.index_cast %get3A_632 : i32 to index
    %get3A_634 = arith.constant 16 : index
    %get3A_635 = tpu.vector_load %arg8[%get3A_633, %get3A_634] {strides = array<i32>} : memref<32x64xi32, #tpu.memory_space<vmem>>, vector<16xi32>,
    %broadcast_in_dim3A_636 = arith.constant 26 : i32
    %broadcast_in_dim3A_637 = vector.broadcast %broadcast_in_dim3A_636 : i32 to vector<16xi32>
    %lt3A_638 = arith.cmpi slt, %broadcast_in_dim3A_637, %broadcast_in_dim3A : vector<16xi32>
    %broadcast_in_dim3A_639 = arith.constant 0 : i32
    %broadcast_in_dim3A_640 = vector.broadcast %broadcast_in_dim3A_639 : i32 to vector<16xi32>
    %select_n3A_641 = arith.select %lt3A_638, %get3A_635, %broadcast_in_dim3A_640 : vector<16xi1>, vector<16xi32>
    %add3A_642 = arith.addi %add3A_631, %select_n3A_641 : vector<16xi32>
    %get3A_643 = arith.constant 27 : i32
    %get3A_644 = arith.index_cast %get3A_643 : i32 to index
    %get3A_645 = arith.constant 16 : index
    %get3A_646 = tpu.vector_load %arg8[%get3A_644, %get3A_645] {strides = array<i32>} : memref<32x64xi32, #tpu.memory_space<vmem>>, vector<16xi32>,
    %broadcast_in_dim3A_647 = arith.constant 27 : i32
    %broadcast_in_dim3A_648 = vector.broadcast %broadcast_in_dim3A_647 : i32 to vector<16xi32>
    %lt3A_649 = arith.cmpi slt, %broadcast_in_dim3A_648, %broadcast_in_dim3A : vector<16xi32>
    %broadcast_in_dim3A_650 = arith.constant 0 : i32
    %broadcast_in_dim3A_651 = vector.broadcast %broadcast_in_dim3A_650 : i32 to vector<16xi32>
    %select_n3A_652 = arith.select %lt3A_649, %get3A_646, %broadcast_in_dim3A_651 : vector<16xi1>, vector<16xi32>
    %add3A_653 = arith.addi %add3A_642, %select_n3A_652 : vector<16xi32>
    %get3A_654 = arith.constant 28 : i32
    %get3A_655 = arith.index_cast %get3A_654 : i32 to index
    %get3A_656 = arith.constant 16 : index
    %get3A_657 = tpu.vector_load %arg8[%get3A_655, %get3A_656] {strides = array<i32>} : memref<32x64xi32, #tpu.memory_space<vmem>>, vector<16xi32>,
    %broadcast_in_dim3A_658 = arith.constant 28 : i32
    %broadcast_in_dim3A_659 = vector.broadcast %broadcast_in_dim3A_658 : i32 to vector<16xi32>
    %lt3A_660 = arith.cmpi slt, %broadcast_in_dim3A_659, %broadcast_in_dim3A : vector<16xi32>
    %broadcast_in_dim3A_661 = arith.constant 0 : i32
    %broadcast_in_dim3A_662 = vector.broadcast %broadcast_in_dim3A_661 : i32 to vector<16xi32>
    %select_n3A_663 = arith.select %lt3A_660, %get3A_657, %broadcast_in_dim3A_662 : vector<16xi1>, vector<16xi32>
    %add3A_664 = arith.addi %add3A_653, %select_n3A_663 : vector<16xi32>
    %get3A_665 = arith.constant 29 : i32
    %get3A_666 = arith.index_cast %get3A_665 : i32 to index
    %get3A_667 = arith.constant 16 : index
    %get3A_668 = tpu.vector_load %arg8[%get3A_666, %get3A_667] {strides = array<i32>} : memref<32x64xi32, #tpu.memory_space<vmem>>, vector<16xi32>,
    %broadcast_in_dim3A_669 = arith.constant 29 : i32
    %broadcast_in_dim3A_670 = vector.broadcast %broadcast_in_dim3A_669 : i32 to vector<16xi32>
    %lt3A_671 = arith.cmpi slt, %broadcast_in_dim3A_670, %broadcast_in_dim3A : vector<16xi32>
    %broadcast_in_dim3A_672 = arith.constant 0 : i32
    %broadcast_in_dim3A_673 = vector.broadcast %broadcast_in_dim3A_672 : i32 to vector<16xi32>
    %select_n3A_674 = arith.select %lt3A_671, %get3A_668, %broadcast_in_dim3A_673 : vector<16xi1>, vector<16xi32>
    %add3A_675 = arith.addi %add3A_664, %select_n3A_674 : vector<16xi32>
    %get3A_676 = arith.constant 30 : i32
    %get3A_677 = arith.index_cast %get3A_676 : i32 to index
    %get3A_678 = arith.constant 16 : index
    %get3A_679 = tpu.vector_load %arg8[%get3A_677, %get3A_678] {strides = array<i32>} : memref<32x64xi32, #tpu.memory_space<vmem>>, vector<16xi32>,
    %broadcast_in_dim3A_680 = arith.constant 30 : i32
    %broadcast_in_dim3A_681 = vector.broadcast %broadcast_in_dim3A_680 : i32 to vector<16xi32>
    %lt3A_682 = arith.cmpi slt, %broadcast_in_dim3A_681, %broadcast_in_dim3A : vector<16xi32>
    %broadcast_in_dim3A_683 = arith.constant 0 : i32
    %broadcast_in_dim3A_684 = vector.broadcast %broadcast_in_dim3A_683 : i32 to vector<16xi32>
    %select_n3A_685 = arith.select %lt3A_682, %get3A_679, %broadcast_in_dim3A_684 : vector<16xi1>, vector<16xi32>
    %add3A_686 = arith.addi %add3A_675, %select_n3A_685 : vector<16xi32>
    %swap3A_687 = arith.constant 16 : index
    %swap3A_688 = tpu.vector_load %arg9[%swap3A_687] {strides = array<i32>} : memref<64xi32, #tpu.memory_space<vmem>>, vector<16xi32>,
    tpu.vector_store %arg9[%swap3A_687], %add3A_686 {strides = array<i32>} : memref<64xi32, #tpu.memory_space<vmem>>, vector<16xi32>,
    %broadcast_in_dim3A_689 = arith.constant 0 : i32
    %broadcast_in_dim3A_690 = vector.broadcast %broadcast_in_dim3A_689 : i32 to vector<16xi32>
    %get3A_691 = arith.constant 0 : i32
    %get3A_692 = arith.index_cast %get3A_691 : i32 to index
    %get3A_693 = arith.constant 32 : index
    %get3A_694 = tpu.vector_load %arg8[%get3A_692, %get3A_693] {strides = array<i32>} : memref<32x64xi32, #tpu.memory_space<vmem>>, vector<16xi32>,
    %broadcast_in_dim3A_695 = arith.constant 0 : i32
    %broadcast_in_dim3A_696 = vector.broadcast %broadcast_in_dim3A_695 : i32 to vector<16xi32>
    %lt3A_697 = arith.cmpi slt, %broadcast_in_dim3A_696, %broadcast_in_dim3A : vector<16xi32>
    %broadcast_in_dim3A_698 = arith.constant 0 : i32
    %broadcast_in_dim3A_699 = vector.broadcast %broadcast_in_dim3A_698 : i32 to vector<16xi32>
    %select_n3A_700 = arith.select %lt3A_697, %get3A_694, %broadcast_in_dim3A_699 : vector<16xi1>, vector<16xi32>
    %add3A_701 = arith.addi %broadcast_in_dim3A_690, %select_n3A_700 : vector<16xi32>
    %get3A_702 = arith.constant 1 : i32
    %get3A_703 = arith.index_cast %get3A_702 : i32 to index
    %get3A_704 = arith.constant 32 : index
    %get3A_705 = tpu.vector_load %arg8[%get3A_703, %get3A_704] {strides = array<i32>} : memref<32x64xi32, #tpu.memory_space<vmem>>, vector<16xi32>,
    %broadcast_in_dim3A_706 = arith.constant 1 : i32
    %broadcast_in_dim3A_707 = vector.broadcast %broadcast_in_dim3A_706 : i32 to vector<16xi32>
    %lt3A_708 = arith.cmpi slt, %broadcast_in_dim3A_707, %broadcast_in_dim3A : vector<16xi32>
    %broadcast_in_dim3A_709 = arith.constant 0 : i32
    %broadcast_in_dim3A_710 = vector.broadcast %broadcast_in_dim3A_709 : i32 to vector<16xi32>
    %select_n3A_711 = arith.select %lt3A_708, %get3A_705, %broadcast_in_dim3A_710 : vector<16xi1>, vector<16xi32>
    %add3A_712 = arith.addi %add3A_701, %select_n3A_711 : vector<16xi32>
    %get3A_713 = arith.constant 2 : i32
    %get3A_714 = arith.index_cast %get3A_713 : i32 to index
    %get3A_715 = arith.constant 32 : index
    %get3A_716 = tpu.vector_load %arg8[%get3A_714, %get3A_715] {strides = array<i32>} : memref<32x64xi32, #tpu.memory_space<vmem>>, vector<16xi32>,
    %broadcast_in_dim3A_717 = arith.constant 2 : i32
    %broadcast_in_dim3A_718 = vector.broadcast %broadcast_in_dim3A_717 : i32 to vector<16xi32>
    %lt3A_719 = arith.cmpi slt, %broadcast_in_dim3A_718, %broadcast_in_dim3A : vector<16xi32>
    %broadcast_in_dim3A_720 = arith.constant 0 : i32
    %broadcast_in_dim3A_721 = vector.broadcast %broadcast_in_dim3A_720 : i32 to vector<16xi32>
    %select_n3A_722 = arith.select %lt3A_719, %get3A_716, %broadcast_in_dim3A_721 : vector<16xi1>, vector<16xi32>
    %add3A_723 = arith.addi %add3A_712, %select_n3A_722 : vector<16xi32>
    %get3A_724 = arith.constant 3 : i32
    %get3A_725 = arith.index_cast %get3A_724 : i32 to index
    %get3A_726 = arith.constant 32 : index
    %get3A_727 = tpu.vector_load %arg8[%get3A_725, %get3A_726] {strides = array<i32>} : memref<32x64xi32, #tpu.memory_space<vmem>>, vector<16xi32>,
    %broadcast_in_dim3A_728 = arith.constant 3 : i32
    %broadcast_in_dim3A_729 = vector.broadcast %broadcast_in_dim3A_728 : i32 to vector<16xi32>
    %lt3A_730 = arith.cmpi slt, %broadcast_in_dim3A_729, %broadcast_in_dim3A : vector<16xi32>
    %broadcast_in_dim3A_731 = arith.constant 0 : i32
    %broadcast_in_dim3A_732 = vector.broadcast %broadcast_in_dim3A_731 : i32 to vector<16xi32>
    %select_n3A_733 = arith.select %lt3A_730, %get3A_727, %broadcast_in_dim3A_732 : vector<16xi1>, vector<16xi32>
    %add3A_734 = arith.addi %add3A_723, %select_n3A_733 : vector<16xi32>
    %get3A_735 = arith.constant 4 : i32
    %get3A_736 = arith.index_cast %get3A_735 : i32 to index
    %get3A_737 = arith.constant 32 : index
    %get3A_738 = tpu.vector_load %arg8[%get3A_736, %get3A_737] {strides = array<i32>} : memref<32x64xi32, #tpu.memory_space<vmem>>, vector<16xi32>,
    %broadcast_in_dim3A_739 = arith.constant 4 : i32
    %broadcast_in_dim3A_740 = vector.broadcast %broadcast_in_dim3A_739 : i32 to vector<16xi32>
    %lt3A_741 = arith.cmpi slt, %broadcast_in_dim3A_740, %broadcast_in_dim3A : vector<16xi32>
    %broadcast_in_dim3A_742 = arith.constant 0 : i32
    %broadcast_in_dim3A_743 = vector.broadcast %broadcast_in_dim3A_742 : i32 to vector<16xi32>
    %select_n3A_744 = arith.select %lt3A_741, %get3A_738, %broadcast_in_dim3A_743 : vector<16xi1>, vector<16xi32>
    %add3A_745 = arith.addi %add3A_734, %select_n3A_744 : vector<16xi32>
    %get3A_746 = arith.constant 5 : i32
    %get3A_747 = arith.index_cast %get3A_746 : i32 to index
    %get3A_748 = arith.constant 32 : index
    %get3A_749 = tpu.vector_load %arg8[%get3A_747, %get3A_748] {strides = array<i32>} : memref<32x64xi32, #tpu.memory_space<vmem>>, vector<16xi32>,
    %broadcast_in_dim3A_750 = arith.constant 5 : i32
    %broadcast_in_dim3A_751 = vector.broadcast %broadcast_in_dim3A_750 : i32 to vector<16xi32>
    %lt3A_752 = arith.cmpi slt, %broadcast_in_dim3A_751, %broadcast_in_dim3A : vector<16xi32>
    %broadcast_in_dim3A_753 = arith.constant 0 : i32
    %broadcast_in_dim3A_754 = vector.broadcast %broadcast_in_dim3A_753 : i32 to vector<16xi32>
    %select_n3A_755 = arith.select %lt3A_752, %get3A_749, %broadcast_in_dim3A_754 : vector<16xi1>, vector<16xi32>
    %add3A_756 = arith.addi %add3A_745, %select_n3A_755 : vector<16xi32>
    %get3A_757 = arith.constant 6 : i32
    %get3A_758 = arith.index_cast %get3A_757 : i32 to index
    %get3A_759 = arith.constant 32 : index
    %get3A_760 = tpu.vector_load %arg8[%get3A_758, %get3A_759] {strides = array<i32>} : memref<32x64xi32, #tpu.memory_space<vmem>>, vector<16xi32>,
    %broadcast_in_dim3A_761 = arith.constant 6 : i32
    %broadcast_in_dim3A_762 = vector.broadcast %broadcast_in_dim3A_761 : i32 to vector<16xi32>
    %lt3A_763 = arith.cmpi slt, %broadcast_in_dim3A_762, %broadcast_in_dim3A : vector<16xi32>
    %broadcast_in_dim3A_764 = arith.constant 0 : i32
    %broadcast_in_dim3A_765 = vector.broadcast %broadcast_in_dim3A_764 : i32 to vector<16xi32>
    %select_n3A_766 = arith.select %lt3A_763, %get3A_760, %broadcast_in_dim3A_765 : vector<16xi1>, vector<16xi32>
    %add3A_767 = arith.addi %add3A_756, %select_n3A_766 : vector<16xi32>
    %get3A_768 = arith.constant 7 : i32
    %get3A_769 = arith.index_cast %get3A_768 : i32 to index
    %get3A_770 = arith.constant 32 : index
    %get3A_771 = tpu.vector_load %arg8[%get3A_769, %get3A_770] {strides = array<i32>} : memref<32x64xi32, #tpu.memory_space<vmem>>, vector<16xi32>,
    %broadcast_in_dim3A_772 = arith.constant 7 : i32
    %broadcast_in_dim3A_773 = vector.broadcast %broadcast_in_dim3A_772 : i32 to vector<16xi32>
    %lt3A_774 = arith.cmpi slt, %broadcast_in_dim3A_773, %broadcast_in_dim3A : vector<16xi32>
    %broadcast_in_dim3A_775 = arith.constant 0 : i32
    %broadcast_in_dim3A_776 = vector.broadcast %broadcast_in_dim3A_775 : i32 to vector<16xi32>
    %select_n3A_777 = arith.select %lt3A_774, %get3A_771, %broadcast_in_dim3A_776 : vector<16xi1>, vector<16xi32>
    %add3A_778 = arith.addi %add3A_767, %select_n3A_777 : vector<16xi32>
    %get3A_779 = arith.constant 8 : i32
    %get3A_780 = arith.index_cast %get3A_779 : i32 to index
    %get3A_781 = arith.constant 32 : index
    %get3A_782 = tpu.vector_load %arg8[%get3A_780, %get3A_781] {strides = array<i32>} : memref<32x64xi32, #tpu.memory_space<vmem>>, vector<16xi32>,
    %broadcast_in_dim3A_783 = arith.constant 8 : i32
    %broadcast_in_dim3A_784 = vector.broadcast %broadcast_in_dim3A_783 : i32 to vector<16xi32>
    %lt3A_785 = arith.cmpi slt, %broadcast_in_dim3A_784, %broadcast_in_dim3A : vector<16xi32>
    %broadcast_in_dim3A_786 = arith.constant 0 : i32
    %broadcast_in_dim3A_787 = vector.broadcast %broadcast_in_dim3A_786 : i32 to vector<16xi32>
    %select_n3A_788 = arith.select %lt3A_785, %get3A_782, %broadcast_in_dim3A_787 : vector<16xi1>, vector<16xi32>
    %add3A_789 = arith.addi %add3A_778, %select_n3A_788 : vector<16xi32>
    %get3A_790 = arith.constant 9 : i32
    %get3A_791 = arith.index_cast %get3A_790 : i32 to index
    %get3A_792 = arith.constant 32 : index
    %get3A_793 = tpu.vector_load %arg8[%get3A_791, %get3A_792] {strides = array<i32>} : memref<32x64xi32, #tpu.memory_space<vmem>>, vector<16xi32>,
    %broadcast_in_dim3A_794 = arith.constant 9 : i32
    %broadcast_in_dim3A_795 = vector.broadcast %broadcast_in_dim3A_794 : i32 to vector<16xi32>
    %lt3A_796 = arith.cmpi slt, %broadcast_in_dim3A_795, %broadcast_in_dim3A : vector<16xi32>
    %broadcast_in_dim3A_797 = arith.constant 0 : i32
    %broadcast_in_dim3A_798 = vector.broadcast %broadcast_in_dim3A_797 : i32 to vector<16xi32>
    %select_n3A_799 = arith.select %lt3A_796, %get3A_793, %broadcast_in_dim3A_798 : vector<16xi1>, vector<16xi32>
    %add3A_800 = arith.addi %add3A_789, %select_n3A_799 : vector<16xi32>
    %get3A_801 = arith.constant 10 : i32
    %get3A_802 = arith.index_cast %get3A_801 : i32 to index
    %get3A_803 = arith.constant 32 : index
    %get3A_804 = tpu.vector_load %arg8[%get3A_802, %get3A_803] {strides = array<i32>} : memref<32x64xi32, #tpu.memory_space<vmem>>, vector<16xi32>,
    %broadcast_in_dim3A_805 = arith.constant 10 : i32
    %broadcast_in_dim3A_806 = vector.broadcast %broadcast_in_dim3A_805 : i32 to vector<16xi32>
    %lt3A_807 = arith.cmpi slt, %broadcast_in_dim3A_806, %broadcast_in_dim3A : vector<16xi32>
    %broadcast_in_dim3A_808 = arith.constant 0 : i32
    %broadcast_in_dim3A_809 = vector.broadcast %broadcast_in_dim3A_808 : i32 to vector<16xi32>
    %select_n3A_810 = arith.select %lt3A_807, %get3A_804, %broadcast_in_dim3A_809 : vector<16xi1>, vector<16xi32>
    %add3A_811 = arith.addi %add3A_800, %select_n3A_810 : vector<16xi32>
    %get3A_812 = arith.constant 11 : i32
    %get3A_813 = arith.index_cast %get3A_812 : i32 to index
    %get3A_814 = arith.constant 32 : index
    %get3A_815 = tpu.vector_load %arg8[%get3A_813, %get3A_814] {strides = array<i32>} : memref<32x64xi32, #tpu.memory_space<vmem>>, vector<16xi32>,
    %broadcast_in_dim3A_816 = arith.constant 11 : i32
    %broadcast_in_dim3A_817 = vector.broadcast %broadcast_in_dim3A_816 : i32 to vector<16xi32>
    %lt3A_818 = arith.cmpi slt, %broadcast_in_dim3A_817, %broadcast_in_dim3A : vector<16xi32>
    %broadcast_in_dim3A_819 = arith.constant 0 : i32
    %broadcast_in_dim3A_820 = vector.broadcast %broadcast_in_dim3A_819 : i32 to vector<16xi32>
    %select_n3A_821 = arith.select %lt3A_818, %get3A_815, %broadcast_in_dim3A_820 : vector<16xi1>, vector<16xi32>
    %add3A_822 = arith.addi %add3A_811, %select_n3A_821 : vector<16xi32>
    %get3A_823 = arith.constant 12 : i32
    %get3A_824 = arith.index_cast %get3A_823 : i32 to index
    %get3A_825 = arith.constant 32 : index
    %get3A_826 = tpu.vector_load %arg8[%get3A_824, %get3A_825] {strides = array<i32>} : memref<32x64xi32, #tpu.memory_space<vmem>>, vector<16xi32>,
    %broadcast_in_dim3A_827 = arith.constant 12 : i32
    %broadcast_in_dim3A_828 = vector.broadcast %broadcast_in_dim3A_827 : i32 to vector<16xi32>
    %lt3A_829 = arith.cmpi slt, %broadcast_in_dim3A_828, %broadcast_in_dim3A : vector<16xi32>
    %broadcast_in_dim3A_830 = arith.constant 0 : i32
    %broadcast_in_dim3A_831 = vector.broadcast %broadcast_in_dim3A_830 : i32 to vector<16xi32>
    %select_n3A_832 = arith.select %lt3A_829, %get3A_826, %broadcast_in_dim3A_831 : vector<16xi1>, vector<16xi32>
    %add3A_833 = arith.addi %add3A_822, %select_n3A_832 : vector<16xi32>
    %get3A_834 = arith.constant 13 : i32
    %get3A_835 = arith.index_cast %get3A_834 : i32 to index
    %get3A_836 = arith.constant 32 : index
    %get3A_837 = tpu.vector_load %arg8[%get3A_835, %get3A_836] {strides = array<i32>} : memref<32x64xi32, #tpu.memory_space<vmem>>, vector<16xi32>,
    %broadcast_in_dim3A_838 = arith.constant 13 : i32
    %broadcast_in_dim3A_839 = vector.broadcast %broadcast_in_dim3A_838 : i32 to vector<16xi32>
    %lt3A_840 = arith.cmpi slt, %broadcast_in_dim3A_839, %broadcast_in_dim3A : vector<16xi32>
    %broadcast_in_dim3A_841 = arith.constant 0 : i32
    %broadcast_in_dim3A_842 = vector.broadcast %broadcast_in_dim3A_841 : i32 to vector<16xi32>
    %select_n3A_843 = arith.select %lt3A_840, %get3A_837, %broadcast_in_dim3A_842 : vector<16xi1>, vector<16xi32>
    %add3A_844 = arith.addi %add3A_833, %select_n3A_843 : vector<16xi32>
    %get3A_845 = arith.constant 14 : i32
    %get3A_846 = arith.index_cast %get3A_845 : i32 to index
    %get3A_847 = arith.constant 32 : index
    %get3A_848 = tpu.vector_load %arg8[%get3A_846, %get3A_847] {strides = array<i32>} : memref<32x64xi32, #tpu.memory_space<vmem>>, vector<16xi32>,
    %broadcast_in_dim3A_849 = arith.constant 14 : i32
    %broadcast_in_dim3A_850 = vector.broadcast %broadcast_in_dim3A_849 : i32 to vector<16xi32>
    %lt3A_851 = arith.cmpi slt, %broadcast_in_dim3A_850, %broadcast_in_dim3A : vector<16xi32>
    %broadcast_in_dim3A_852 = arith.constant 0 : i32
    %broadcast_in_dim3A_853 = vector.broadcast %broadcast_in_dim3A_852 : i32 to vector<16xi32>
    %select_n3A_854 = arith.select %lt3A_851, %get3A_848, %broadcast_in_dim3A_853 : vector<16xi1>, vector<16xi32>
    %add3A_855 = arith.addi %add3A_844, %select_n3A_854 : vector<16xi32>
    %get3A_856 = arith.constant 15 : i32
    %get3A_857 = arith.index_cast %get3A_856 : i32 to index
    %get3A_858 = arith.constant 32 : index
    %get3A_859 = tpu.vector_load %arg8[%get3A_857, %get3A_858] {strides = array<i32>} : memref<32x64xi32, #tpu.memory_space<vmem>>, vector<16xi32>,
    %broadcast_in_dim3A_860 = arith.constant 15 : i32
    %broadcast_in_dim3A_861 = vector.broadcast %broadcast_in_dim3A_860 : i32 to vector<16xi32>
    %lt3A_862 = arith.cmpi slt, %broadcast_in_dim3A_861, %broadcast_in_dim3A : vector<16xi32>
    %broadcast_in_dim3A_863 = arith.constant 0 : i32
    %broadcast_in_dim3A_864 = vector.broadcast %broadcast_in_dim3A_863 : i32 to vector<16xi32>
    %select_n3A_865 = arith.select %lt3A_862, %get3A_859, %broadcast_in_dim3A_864 : vector<16xi1>, vector<16xi32>
    %add3A_866 = arith.addi %add3A_855, %select_n3A_865 : vector<16xi32>
    %get3A_867 = arith.constant 16 : i32
    %get3A_868 = arith.index_cast %get3A_867 : i32 to index
    %get3A_869 = arith.constant 32 : index
    %get3A_870 = tpu.vector_load %arg8[%get3A_868, %get3A_869] {strides = array<i32>} : memref<32x64xi32, #tpu.memory_space<vmem>>, vector<16xi32>,
    %broadcast_in_dim3A_871 = arith.constant 16 : i32
    %broadcast_in_dim3A_872 = vector.broadcast %broadcast_in_dim3A_871 : i32 to vector<16xi32>
    %lt3A_873 = arith.cmpi slt, %broadcast_in_dim3A_872, %broadcast_in_dim3A : vector<16xi32>
    %broadcast_in_dim3A_874 = arith.constant 0 : i32
    %broadcast_in_dim3A_875 = vector.broadcast %broadcast_in_dim3A_874 : i32 to vector<16xi32>
    %select_n3A_876 = arith.select %lt3A_873, %get3A_870, %broadcast_in_dim3A_875 : vector<16xi1>, vector<16xi32>
    %add3A_877 = arith.addi %add3A_866, %select_n3A_876 : vector<16xi32>
    %get3A_878 = arith.constant 17 : i32
    %get3A_879 = arith.index_cast %get3A_878 : i32 to index
    %get3A_880 = arith.constant 32 : index
    %get3A_881 = tpu.vector_load %arg8[%get3A_879, %get3A_880] {strides = array<i32>} : memref<32x64xi32, #tpu.memory_space<vmem>>, vector<16xi32>,
    %broadcast_in_dim3A_882 = arith.constant 17 : i32
    %broadcast_in_dim3A_883 = vector.broadcast %broadcast_in_dim3A_882 : i32 to vector<16xi32>
    %lt3A_884 = arith.cmpi slt, %broadcast_in_dim3A_883, %broadcast_in_dim3A : vector<16xi32>
    %broadcast_in_dim3A_885 = arith.constant 0 : i32
    %broadcast_in_dim3A_886 = vector.broadcast %broadcast_in_dim3A_885 : i32 to vector<16xi32>
    %select_n3A_887 = arith.select %lt3A_884, %get3A_881, %broadcast_in_dim3A_886 : vector<16xi1>, vector<16xi32>
    %add3A_888 = arith.addi %add3A_877, %select_n3A_887 : vector<16xi32>
    %get3A_889 = arith.constant 18 : i32
    %get3A_890 = arith.index_cast %get3A_889 : i32 to index
    %get3A_891 = arith.constant 32 : index
    %get3A_892 = tpu.vector_load %arg8[%get3A_890, %get3A_891] {strides = array<i32>} : memref<32x64xi32, #tpu.memory_space<vmem>>, vector<16xi32>,
    %broadcast_in_dim3A_893 = arith.constant 18 : i32
    %broadcast_in_dim3A_894 = vector.broadcast %broadcast_in_dim3A_893 : i32 to vector<16xi32>
    %lt3A_895 = arith.cmpi slt, %broadcast_in_dim3A_894, %broadcast_in_dim3A : vector<16xi32>
    %broadcast_in_dim3A_896 = arith.constant 0 : i32
    %broadcast_in_dim3A_897 = vector.broadcast %broadcast_in_dim3A_896 : i32 to vector<16xi32>
    %select_n3A_898 = arith.select %lt3A_895, %get3A_892, %broadcast_in_dim3A_897 : vector<16xi1>, vector<16xi32>
    %add3A_899 = arith.addi %add3A_888, %select_n3A_898 : vector<16xi32>
    %get3A_900 = arith.constant 19 : i32
    %get3A_901 = arith.index_cast %get3A_900 : i32 to index
    %get3A_902 = arith.constant 32 : index
    %get3A_903 = tpu.vector_load %arg8[%get3A_901, %get3A_902] {strides = array<i32>} : memref<32x64xi32, #tpu.memory_space<vmem>>, vector<16xi32>,
    %broadcast_in_dim3A_904 = arith.constant 19 : i32
    %broadcast_in_dim3A_905 = vector.broadcast %broadcast_in_dim3A_904 : i32 to vector<16xi32>
    %lt3A_906 = arith.cmpi slt, %broadcast_in_dim3A_905, %broadcast_in_dim3A : vector<16xi32>
    %broadcast_in_dim3A_907 = arith.constant 0 : i32
    %broadcast_in_dim3A_908 = vector.broadcast %broadcast_in_dim3A_907 : i32 to vector<16xi32>
    %select_n3A_909 = arith.select %lt3A_906, %get3A_903, %broadcast_in_dim3A_908 : vector<16xi1>, vector<16xi32>
    %add3A_910 = arith.addi %add3A_899, %select_n3A_909 : vector<16xi32>
    %get3A_911 = arith.constant 20 : i32
    %get3A_912 = arith.index_cast %get3A_911 : i32 to index
    %get3A_913 = arith.constant 32 : index
    %get3A_914 = tpu.vector_load %arg8[%get3A_912, %get3A_913] {strides = array<i32>} : memref<32x64xi32, #tpu.memory_space<vmem>>, vector<16xi32>,
    %broadcast_in_dim3A_915 = arith.constant 20 : i32
    %broadcast_in_dim3A_916 = vector.broadcast %broadcast_in_dim3A_915 : i32 to vector<16xi32>
    %lt3A_917 = arith.cmpi slt, %broadcast_in_dim3A_916, %broadcast_in_dim3A : vector<16xi32>
    %broadcast_in_dim3A_918 = arith.constant 0 : i32
    %broadcast_in_dim3A_919 = vector.broadcast %broadcast_in_dim3A_918 : i32 to vector<16xi32>
    %select_n3A_920 = arith.select %lt3A_917, %get3A_914, %broadcast_in_dim3A_919 : vector<16xi1>, vector<16xi32>
    %add3A_921 = arith.addi %add3A_910, %select_n3A_920 : vector<16xi32>
    %get3A_922 = arith.constant 21 : i32
    %get3A_923 = arith.index_cast %get3A_922 : i32 to index
    %get3A_924 = arith.constant 32 : index
    %get3A_925 = tpu.vector_load %arg8[%get3A_923, %get3A_924] {strides = array<i32>} : memref<32x64xi32, #tpu.memory_space<vmem>>, vector<16xi32>,
    %broadcast_in_dim3A_926 = arith.constant 21 : i32
    %broadcast_in_dim3A_927 = vector.broadcast %broadcast_in_dim3A_926 : i32 to vector<16xi32>
    %lt3A_928 = arith.cmpi slt, %broadcast_in_dim3A_927, %broadcast_in_dim3A : vector<16xi32>
    %broadcast_in_dim3A_929 = arith.constant 0 : i32
    %broadcast_in_dim3A_930 = vector.broadcast %broadcast_in_dim3A_929 : i32 to vector<16xi32>
    %select_n3A_931 = arith.select %lt3A_928, %get3A_925, %broadcast_in_dim3A_930 : vector<16xi1>, vector<16xi32>
    %add3A_932 = arith.addi %add3A_921, %select_n3A_931 : vector<16xi32>
    %get3A_933 = arith.constant 22 : i32
    %get3A_934 = arith.index_cast %get3A_933 : i32 to index
    %get3A_935 = arith.constant 32 : index
    %get3A_936 = tpu.vector_load %arg8[%get3A_934, %get3A_935] {strides = array<i32>} : memref<32x64xi32, #tpu.memory_space<vmem>>, vector<16xi32>,
    %broadcast_in_dim3A_937 = arith.constant 22 : i32
    %broadcast_in_dim3A_938 = vector.broadcast %broadcast_in_dim3A_937 : i32 to vector<16xi32>
    %lt3A_939 = arith.cmpi slt, %broadcast_in_dim3A_938, %broadcast_in_dim3A : vector<16xi32>
    %broadcast_in_dim3A_940 = arith.constant 0 : i32
    %broadcast_in_dim3A_941 = vector.broadcast %broadcast_in_dim3A_940 : i32 to vector<16xi32>
    %select_n3A_942 = arith.select %lt3A_939, %get3A_936, %broadcast_in_dim3A_941 : vector<16xi1>, vector<16xi32>
    %add3A_943 = arith.addi %add3A_932, %select_n3A_942 : vector<16xi32>
    %get3A_944 = arith.constant 23 : i32
    %get3A_945 = arith.index_cast %get3A_944 : i32 to index
    %get3A_946 = arith.constant 32 : index
    %get3A_947 = tpu.vector_load %arg8[%get3A_945, %get3A_946] {strides = array<i32>} : memref<32x64xi32, #tpu.memory_space<vmem>>, vector<16xi32>,
    %broadcast_in_dim3A_948 = arith.constant 23 : i32
    %broadcast_in_dim3A_949 = vector.broadcast %broadcast_in_dim3A_948 : i32 to vector<16xi32>
    %lt3A_950 = arith.cmpi slt, %broadcast_in_dim3A_949, %broadcast_in_dim3A : vector<16xi32>
    %broadcast_in_dim3A_951 = arith.constant 0 : i32
    %broadcast_in_dim3A_952 = vector.broadcast %broadcast_in_dim3A_951 : i32 to vector<16xi32>
    %select_n3A_953 = arith.select %lt3A_950, %get3A_947, %broadcast_in_dim3A_952 : vector<16xi1>, vector<16xi32>
    %add3A_954 = arith.addi %add3A_943, %select_n3A_953 : vector<16xi32>
    %get3A_955 = arith.constant 24 : i32
    %get3A_956 = arith.index_cast %get3A_955 : i32 to index
    %get3A_957 = arith.constant 32 : index
    %get3A_958 = tpu.vector_load %arg8[%get3A_956, %get3A_957] {strides = array<i32>} : memref<32x64xi32, #tpu.memory_space<vmem>>, vector<16xi32>,
    %broadcast_in_dim3A_959 = arith.constant 24 : i32
    %broadcast_in_dim3A_960 = vector.broadcast %broadcast_in_dim3A_959 : i32 to vector<16xi32>
    %lt3A_961 = arith.cmpi slt, %broadcast_in_dim3A_960, %broadcast_in_dim3A : vector<16xi32>
    %broadcast_in_dim3A_962 = arith.constant 0 : i32
    %broadcast_in_dim3A_963 = vector.broadcast %broadcast_in_dim3A_962 : i32 to vector<16xi32>
    %select_n3A_964 = arith.select %lt3A_961, %get3A_958, %broadcast_in_dim3A_963 : vector<16xi1>, vector<16xi32>
    %add3A_965 = arith.addi %add3A_954, %select_n3A_964 : vector<16xi32>
    %get3A_966 = arith.constant 25 : i32
    %get3A_967 = arith.index_cast %get3A_966 : i32 to index
    %get3A_968 = arith.constant 32 : index
    %get3A_969 = tpu.vector_load %arg8[%get3A_967, %get3A_968] {strides = array<i32>} : memref<32x64xi32, #tpu.memory_space<vmem>>, vector<16xi32>,
    %broadcast_in_dim3A_970 = arith.constant 25 : i32
    %broadcast_in_dim3A_971 = vector.broadcast %broadcast_in_dim3A_970 : i32 to vector<16xi32>
    %lt3A_972 = arith.cmpi slt, %broadcast_in_dim3A_971, %broadcast_in_dim3A : vector<16xi32>
    %broadcast_in_dim3A_973 = arith.constant 0 : i32
    %broadcast_in_dim3A_974 = vector.broadcast %broadcast_in_dim3A_973 : i32 to vector<16xi32>
    %select_n3A_975 = arith.select %lt3A_972, %get3A_969, %broadcast_in_dim3A_974 : vector<16xi1>, vector<16xi32>
    %add3A_976 = arith.addi %add3A_965, %select_n3A_975 : vector<16xi32>
    %get3A_977 = arith.constant 26 : i32
    %get3A_978 = arith.index_cast %get3A_977 : i32 to index
    %get3A_979 = arith.constant 32 : index
    %get3A_980 = tpu.vector_load %arg8[%get3A_978, %get3A_979] {strides = array<i32>} : memref<32x64xi32, #tpu.memory_space<vmem>>, vector<16xi32>,
    %broadcast_in_dim3A_981 = arith.constant 26 : i32
    %broadcast_in_dim3A_982 = vector.broadcast %broadcast_in_dim3A_981 : i32 to vector<16xi32>
    %lt3A_983 = arith.cmpi slt, %broadcast_in_dim3A_982, %broadcast_in_dim3A : vector<16xi32>
    %broadcast_in_dim3A_984 = arith.constant 0 : i32
    %broadcast_in_dim3A_985 = vector.broadcast %broadcast_in_dim3A_984 : i32 to vector<16xi32>
    %select_n3A_986 = arith.select %lt3A_983, %get3A_980, %broadcast_in_dim3A_985 : vector<16xi1>, vector<16xi32>
    %add3A_987 = arith.addi %add3A_976, %select_n3A_986 : vector<16xi32>
    %get3A_988 = arith.constant 27 : i32
    %get3A_989 = arith.index_cast %get3A_988 : i32 to index
    %get3A_990 = arith.constant 32 : index
    %get3A_991 = tpu.vector_load %arg8[%get3A_989, %get3A_990] {strides = array<i32>} : memref<32x64xi32, #tpu.memory_space<vmem>>, vector<16xi32>,
    %broadcast_in_dim3A_992 = arith.constant 27 : i32
    %broadcast_in_dim3A_993 = vector.broadcast %broadcast_in_dim3A_992 : i32 to vector<16xi32>
    %lt3A_994 = arith.cmpi slt, %broadcast_in_dim3A_993, %broadcast_in_dim3A : vector<16xi32>
    %broadcast_in_dim3A_995 = arith.constant 0 : i32
    %broadcast_in_dim3A_996 = vector.broadcast %broadcast_in_dim3A_995 : i32 to vector<16xi32>
    %select_n3A_997 = arith.select %lt3A_994, %get3A_991, %broadcast_in_dim3A_996 : vector<16xi1>, vector<16xi32>
    %add3A_998 = arith.addi %add3A_987, %select_n3A_997 : vector<16xi32>
    %get3A_999 = arith.constant 28 : i32
    %get3A_1000 = arith.index_cast %get3A_999 : i32 to index
    %get3A_1001 = arith.constant 32 : index
    %get3A_1002 = tpu.vector_load %arg8[%get3A_1000, %get3A_1001] {strides = array<i32>} : memref<32x64xi32, #tpu.memory_space<vmem>>, vector<16xi32>,
    %broadcast_in_dim3A_1003 = arith.constant 28 : i32
    %broadcast_in_dim3A_1004 = vector.broadcast %broadcast_in_dim3A_1003 : i32 to vector<16xi32>
    %lt3A_1005 = arith.cmpi slt, %broadcast_in_dim3A_1004, %broadcast_in_dim3A : vector<16xi32>
    %broadcast_in_dim3A_1006 = arith.constant 0 : i32
    %broadcast_in_dim3A_1007 = vector.broadcast %broadcast_in_dim3A_1006 : i32 to vector<16xi32>
    %select_n3A_1008 = arith.select %lt3A_1005, %get3A_1002, %broadcast_in_dim3A_1007 : vector<16xi1>, vector<16xi32>
    %add3A_1009 = arith.addi %add3A_998, %select_n3A_1008 : vector<16xi32>
    %get3A_1010 = arith.constant 29 : i32
    %get3A_1011 = arith.index_cast %get3A_1010 : i32 to index
    %get3A_1012 = arith.constant 32 : index
    %get3A_1013 = tpu.vector_load %arg8[%get3A_1011, %get3A_1012] {strides = array<i32>} : memref<32x64xi32, #tpu.memory_space<vmem>>, vector<16xi32>,
    %broadcast_in_dim3A_1014 = arith.constant 29 : i32
    %broadcast_in_dim3A_1015 = vector.broadcast %broadcast_in_dim3A_1014 : i32 to vector<16xi32>
    %lt3A_1016 = arith.cmpi slt, %broadcast_in_dim3A_1015, %broadcast_in_dim3A : vector<16xi32>
    %broadcast_in_dim3A_1017 = arith.constant 0 : i32
    %broadcast_in_dim3A_1018 = vector.broadcast %broadcast_in_dim3A_1017 : i32 to vector<16xi32>
    %select_n3A_1019 = arith.select %lt3A_1016, %get3A_1013, %broadcast_in_dim3A_1018 : vector<16xi1>, vector<16xi32>
    %add3A_1020 = arith.addi %add3A_1009, %select_n3A_1019 : vector<16xi32>
    %get3A_1021 = arith.constant 30 : i32
    %get3A_1022 = arith.index_cast %get3A_1021 : i32 to index
    %get3A_1023 = arith.constant 32 : index
    %get3A_1024 = tpu.vector_load %arg8[%get3A_1022, %get3A_1023] {strides = array<i32>} : memref<32x64xi32, #tpu.memory_space<vmem>>, vector<16xi32>,
    %broadcast_in_dim3A_1025 = arith.constant 30 : i32
    %broadcast_in_dim3A_1026 = vector.broadcast %broadcast_in_dim3A_1025 : i32 to vector<16xi32>
    %lt3A_1027 = arith.cmpi slt, %broadcast_in_dim3A_1026, %broadcast_in_dim3A : vector<16xi32>
    %broadcast_in_dim3A_1028 = arith.constant 0 : i32
    %broadcast_in_dim3A_1029 = vector.broadcast %broadcast_in_dim3A_1028 : i32 to vector<16xi32>
    %select_n3A_1030 = arith.select %lt3A_1027, %get3A_1024, %broadcast_in_dim3A_1029 : vector<16xi1>, vector<16xi32>
    %add3A_1031 = arith.addi %add3A_1020, %select_n3A_1030 : vector<16xi32>
    %swap3A_1032 = arith.constant 32 : index
    %swap3A_1033 = tpu.vector_load %arg9[%swap3A_1032] {strides = array<i32>} : memref<64xi32, #tpu.memory_space<vmem>>, vector<16xi32>,
    tpu.vector_store %arg9[%swap3A_1032], %add3A_1031 {strides = array<i32>} : memref<64xi32, #tpu.memory_space<vmem>>, vector<16xi32>,
    %broadcast_in_dim3A_1034 = arith.constant 0 : i32
    %broadcast_in_dim3A_1035 = vector.broadcast %broadcast_in_dim3A_1034 : i32 to vector<16xi32>
    %get3A_1036 = arith.constant 0 : i32
    %get3A_1037 = arith.index_cast %get3A_1036 : i32 to index
    %get3A_1038 = arith.constant 48 : index
    %get3A_1039 = tpu.vector_load %arg8[%get3A_1037, %get3A_1038] {strides = array<i32>} : memref<32x64xi32, #tpu.memory_space<vmem>>, vector<16xi32>,
    %broadcast_in_dim3A_1040 = arith.constant 0 : i32
    %broadcast_in_dim3A_1041 = vector.broadcast %broadcast_in_dim3A_1040 : i32 to vector<16xi32>
    %lt3A_1042 = arith.cmpi slt, %broadcast_in_dim3A_1041, %broadcast_in_dim3A : vector<16xi32>
    %broadcast_in_dim3A_1043 = arith.constant 0 : i32
    %broadcast_in_dim3A_1044 = vector.broadcast %broadcast_in_dim3A_1043 : i32 to vector<16xi32>
    %select_n3A_1045 = arith.select %lt3A_1042, %get3A_1039, %broadcast_in_dim3A_1044 : vector<16xi1>, vector<16xi32>
    %add3A_1046 = arith.addi %broadcast_in_dim3A_1035, %select_n3A_1045 : vector<16xi32>
    %get3A_1047 = arith.constant 1 : i32
    %get3A_1048 = arith.index_cast %get3A_1047 : i32 to index
    %get3A_1049 = arith.constant 48 : index
    %get3A_1050 = tpu.vector_load %arg8[%get3A_1048, %get3A_1049] {strides = array<i32>} : memref<32x64xi32, #tpu.memory_space<vmem>>, vector<16xi32>,
    %broadcast_in_dim3A_1051 = arith.constant 1 : i32
    %broadcast_in_dim3A_1052 = vector.broadcast %broadcast_in_dim3A_1051 : i32 to vector<16xi32>
    %lt3A_1053 = arith.cmpi slt, %broadcast_in_dim3A_1052, %broadcast_in_dim3A : vector<16xi32>
    %broadcast_in_dim3A_1054 = arith.constant 0 : i32
    %broadcast_in_dim3A_1055 = vector.broadcast %broadcast_in_dim3A_1054 : i32 to vector<16xi32>
    %select_n3A_1056 = arith.select %lt3A_1053, %get3A_1050, %broadcast_in_dim3A_1055 : vector<16xi1>, vector<16xi32>
    %add3A_1057 = arith.addi %add3A_1046, %select_n3A_1056 : vector<16xi32>
    %get3A_1058 = arith.constant 2 : i32
    %get3A_1059 = arith.index_cast %get3A_1058 : i32 to index
    %get3A_1060 = arith.constant 48 : index
    %get3A_1061 = tpu.vector_load %arg8[%get3A_1059, %get3A_1060] {strides = array<i32>} : memref<32x64xi32, #tpu.memory_space<vmem>>, vector<16xi32>,
    %broadcast_in_dim3A_1062 = arith.constant 2 : i32
    %broadcast_in_dim3A_1063 = vector.broadcast %broadcast_in_dim3A_1062 : i32 to vector<16xi32>
    %lt3A_1064 = arith.cmpi slt, %broadcast_in_dim3A_1063, %broadcast_in_dim3A : vector<16xi32>
    %broadcast_in_dim3A_1065 = arith.constant 0 : i32
    %broadcast_in_dim3A_1066 = vector.broadcast %broadcast_in_dim3A_1065 : i32 to vector<16xi32>
    %select_n3A_1067 = arith.select %lt3A_1064, %get3A_1061, %broadcast_in_dim3A_1066 : vector<16xi1>, vector<16xi32>
    %add3A_1068 = arith.addi %add3A_1057, %select_n3A_1067 : vector<16xi32>
    %get3A_1069 = arith.constant 3 : i32
    %get3A_1070 = arith.index_cast %get3A_1069 : i32 to index
    %get3A_1071 = arith.constant 48 : index
    %get3A_1072 = tpu.vector_load %arg8[%get3A_1070, %get3A_1071] {strides = array<i32>} : memref<32x64xi32, #tpu.memory_space<vmem>>, vector<16xi32>,
    %broadcast_in_dim3A_1073 = arith.constant 3 : i32
    %broadcast_in_dim3A_1074 = vector.broadcast %broadcast_in_dim3A_1073 : i32 to vector<16xi32>
    %lt3A_1075 = arith.cmpi slt, %broadcast_in_dim3A_1074, %broadcast_in_dim3A : vector<16xi32>
    %broadcast_in_dim3A_1076 = arith.constant 0 : i32
    %broadcast_in_dim3A_1077 = vector.broadcast %broadcast_in_dim3A_1076 : i32 to vector<16xi32>
    %select_n3A_1078 = arith.select %lt3A_1075, %get3A_1072, %broadcast_in_dim3A_1077 : vector<16xi1>, vector<16xi32>
    %add3A_1079 = arith.addi %add3A_1068, %select_n3A_1078 : vector<16xi32>
    %get3A_1080 = arith.constant 4 : i32
    %get3A_1081 = arith.index_cast %get3A_1080 : i32 to index
    %get3A_1082 = arith.constant 48 : index
    %get3A_1083 = tpu.vector_load %arg8[%get3A_1081, %get3A_1082] {strides = array<i32>} : memref<32x64xi32, #tpu.memory_space<vmem>>, vector<16xi32>,
    %broadcast_in_dim3A_1084 = arith.constant 4 : i32
    %broadcast_in_dim3A_1085 = vector.broadcast %broadcast_in_dim3A_1084 : i32 to vector<16xi32>
    %lt3A_1086 = arith.cmpi slt, %broadcast_in_dim3A_1085, %broadcast_in_dim3A : vector<16xi32>
    %broadcast_in_dim3A_1087 = arith.constant 0 : i32
    %broadcast_in_dim3A_1088 = vector.broadcast %broadcast_in_dim3A_1087 : i32 to vector<16xi32>
    %select_n3A_1089 = arith.select %lt3A_1086, %get3A_1083, %broadcast_in_dim3A_1088 : vector<16xi1>, vector<16xi32>
    %add3A_1090 = arith.addi %add3A_1079, %select_n3A_1089 : vector<16xi32>
    %get3A_1091 = arith.constant 5 : i32
    %get3A_1092 = arith.index_cast %get3A_1091 : i32 to index
    %get3A_1093 = arith.constant 48 : index
    %get3A_1094 = tpu.vector_load %arg8[%get3A_1092, %get3A_1093] {strides = array<i32>} : memref<32x64xi32, #tpu.memory_space<vmem>>, vector<16xi32>,
    %broadcast_in_dim3A_1095 = arith.constant 5 : i32
    %broadcast_in_dim3A_1096 = vector.broadcast %broadcast_in_dim3A_1095 : i32 to vector<16xi32>
    %lt3A_1097 = arith.cmpi slt, %broadcast_in_dim3A_1096, %broadcast_in_dim3A : vector<16xi32>
    %broadcast_in_dim3A_1098 = arith.constant 0 : i32
    %broadcast_in_dim3A_1099 = vector.broadcast %broadcast_in_dim3A_1098 : i32 to vector<16xi32>
    %select_n3A_1100 = arith.select %lt3A_1097, %get3A_1094, %broadcast_in_dim3A_1099 : vector<16xi1>, vector<16xi32>
    %add3A_1101 = arith.addi %add3A_1090, %select_n3A_1100 : vector<16xi32>
    %get3A_1102 = arith.constant 6 : i32
    %get3A_1103 = arith.index_cast %get3A_1102 : i32 to index
    %get3A_1104 = arith.constant 48 : index
    %get3A_1105 = tpu.vector_load %arg8[%get3A_1103, %get3A_1104] {strides = array<i32>} : memref<32x64xi32, #tpu.memory_space<vmem>>, vector<16xi32>,
    %broadcast_in_dim3A_1106 = arith.constant 6 : i32
    %broadcast_in_dim3A_1107 = vector.broadcast %broadcast_in_dim3A_1106 : i32 to vector<16xi32>
    %lt3A_1108 = arith.cmpi slt, %broadcast_in_dim3A_1107, %broadcast_in_dim3A : vector<16xi32>
    %broadcast_in_dim3A_1109 = arith.constant 0 : i32
    %broadcast_in_dim3A_1110 = vector.broadcast %broadcast_in_dim3A_1109 : i32 to vector<16xi32>
    %select_n3A_1111 = arith.select %lt3A_1108, %get3A_1105, %broadcast_in_dim3A_1110 : vector<16xi1>, vector<16xi32>
    %add3A_1112 = arith.addi %add3A_1101, %select_n3A_1111 : vector<16xi32>
    %get3A_1113 = arith.constant 7 : i32
    %get3A_1114 = arith.index_cast %get3A_1113 : i32 to index
    %get3A_1115 = arith.constant 48 : index
    %get3A_1116 = tpu.vector_load %arg8[%get3A_1114, %get3A_1115] {strides = array<i32>} : memref<32x64xi32, #tpu.memory_space<vmem>>, vector<16xi32>,
    %broadcast_in_dim3A_1117 = arith.constant 7 : i32
    %broadcast_in_dim3A_1118 = vector.broadcast %broadcast_in_dim3A_1117 : i32 to vector<16xi32>
    %lt3A_1119 = arith.cmpi slt, %broadcast_in_dim3A_1118, %broadcast_in_dim3A : vector<16xi32>
    %broadcast_in_dim3A_1120 = arith.constant 0 : i32
    %broadcast_in_dim3A_1121 = vector.broadcast %broadcast_in_dim3A_1120 : i32 to vector<16xi32>
    %select_n3A_1122 = arith.select %lt3A_1119, %get3A_1116, %broadcast_in_dim3A_1121 : vector<16xi1>, vector<16xi32>
    %add3A_1123 = arith.addi %add3A_1112, %select_n3A_1122 : vector<16xi32>
    %get3A_1124 = arith.constant 8 : i32
    %get3A_1125 = arith.index_cast %get3A_1124 : i32 to index
    %get3A_1126 = arith.constant 48 : index
    %get3A_1127 = tpu.vector_load %arg8[%get3A_1125, %get3A_1126] {strides = array<i32>} : memref<32x64xi32, #tpu.memory_space<vmem>>, vector<16xi32>,
    %broadcast_in_dim3A_1128 = arith.constant 8 : i32
    %broadcast_in_dim3A_1129 = vector.broadcast %broadcast_in_dim3A_1128 : i32 to vector<16xi32>
    %lt3A_1130 = arith.cmpi slt, %broadcast_in_dim3A_1129, %broadcast_in_dim3A : vector<16xi32>
    %broadcast_in_dim3A_1131 = arith.constant 0 : i32
    %broadcast_in_dim3A_1132 = vector.broadcast %broadcast_in_dim3A_1131 : i32 to vector<16xi32>
    %select_n3A_1133 = arith.select %lt3A_1130, %get3A_1127, %broadcast_in_dim3A_1132 : vector<16xi1>, vector<16xi32>
    %add3A_1134 = arith.addi %add3A_1123, %select_n3A_1133 : vector<16xi32>
    %get3A_1135 = arith.constant 9 : i32
    %get3A_1136 = arith.index_cast %get3A_1135 : i32 to index
    %get3A_1137 = arith.constant 48 : index
    %get3A_1138 = tpu.vector_load %arg8[%get3A_1136, %get3A_1137] {strides = array<i32>} : memref<32x64xi32, #tpu.memory_space<vmem>>, vector<16xi32>,
    %broadcast_in_dim3A_1139 = arith.constant 9 : i32
    %broadcast_in_dim3A_1140 = vector.broadcast %broadcast_in_dim3A_1139 : i32 to vector<16xi32>
    %lt3A_1141 = arith.cmpi slt, %broadcast_in_dim3A_1140, %broadcast_in_dim3A : vector<16xi32>
    %broadcast_in_dim3A_1142 = arith.constant 0 : i32
    %broadcast_in_dim3A_1143 = vector.broadcast %broadcast_in_dim3A_1142 : i32 to vector<16xi32>
    %select_n3A_1144 = arith.select %lt3A_1141, %get3A_1138, %broadcast_in_dim3A_1143 : vector<16xi1>, vector<16xi32>
    %add3A_1145 = arith.addi %add3A_1134, %select_n3A_1144 : vector<16xi32>
    %get3A_1146 = arith.constant 10 : i32
    %get3A_1147 = arith.index_cast %get3A_1146 : i32 to index
    %get3A_1148 = arith.constant 48 : index
    %get3A_1149 = tpu.vector_load %arg8[%get3A_1147, %get3A_1148] {strides = array<i32>} : memref<32x64xi32, #tpu.memory_space<vmem>>, vector<16xi32>,
    %broadcast_in_dim3A_1150 = arith.constant 10 : i32
    %broadcast_in_dim3A_1151 = vector.broadcast %broadcast_in_dim3A_1150 : i32 to vector<16xi32>
    %lt3A_1152 = arith.cmpi slt, %broadcast_in_dim3A_1151, %broadcast_in_dim3A : vector<16xi32>
    %broadcast_in_dim3A_1153 = arith.constant 0 : i32
    %broadcast_in_dim3A_1154 = vector.broadcast %broadcast_in_dim3A_1153 : i32 to vector<16xi32>
    %select_n3A_1155 = arith.select %lt3A_1152, %get3A_1149, %broadcast_in_dim3A_1154 : vector<16xi1>, vector<16xi32>
    %add3A_1156 = arith.addi %add3A_1145, %select_n3A_1155 : vector<16xi32>
    %get3A_1157 = arith.constant 11 : i32
    %get3A_1158 = arith.index_cast %get3A_1157 : i32 to index
    %get3A_1159 = arith.constant 48 : index
    %get3A_1160 = tpu.vector_load %arg8[%get3A_1158, %get3A_1159] {strides = array<i32>} : memref<32x64xi32, #tpu.memory_space<vmem>>, vector<16xi32>,
    %broadcast_in_dim3A_1161 = arith.constant 11 : i32
    %broadcast_in_dim3A_1162 = vector.broadcast %broadcast_in_dim3A_1161 : i32 to vector<16xi32>
    %lt3A_1163 = arith.cmpi slt, %broadcast_in_dim3A_1162, %broadcast_in_dim3A : vector<16xi32>
    %broadcast_in_dim3A_1164 = arith.constant 0 : i32
    %broadcast_in_dim3A_1165 = vector.broadcast %broadcast_in_dim3A_1164 : i32 to vector<16xi32>
    %select_n3A_1166 = arith.select %lt3A_1163, %get3A_1160, %broadcast_in_dim3A_1165 : vector<16xi1>, vector<16xi32>
    %add3A_1167 = arith.addi %add3A_1156, %select_n3A_1166 : vector<16xi32>
    %get3A_1168 = arith.constant 12 : i32
    %get3A_1169 = arith.index_cast %get3A_1168 : i32 to index
    %get3A_1170 = arith.constant 48 : index
    %get3A_1171 = tpu.vector_load %arg8[%get3A_1169, %get3A_1170] {strides = array<i32>} : memref<32x64xi32, #tpu.memory_space<vmem>>, vector<16xi32>,
    %broadcast_in_dim3A_1172 = arith.constant 12 : i32
    %broadcast_in_dim3A_1173 = vector.broadcast %broadcast_in_dim3A_1172 : i32 to vector<16xi32>
    %lt3A_1174 = arith.cmpi slt, %broadcast_in_dim3A_1173, %broadcast_in_dim3A : vector<16xi32>
    %broadcast_in_dim3A_1175 = arith.constant 0 : i32
    %broadcast_in_dim3A_1176 = vector.broadcast %broadcast_in_dim3A_1175 : i32 to vector<16xi32>
    %select_n3A_1177 = arith.select %lt3A_1174, %get3A_1171, %broadcast_in_dim3A_1176 : vector<16xi1>, vector<16xi32>
    %add3A_1178 = arith.addi %add3A_1167, %select_n3A_1177 : vector<16xi32>
    %get3A_1179 = arith.constant 13 : i32
    %get3A_1180 = arith.index_cast %get3A_1179 : i32 to index
    %get3A_1181 = arith.constant 48 : index
    %get3A_1182 = tpu.vector_load %arg8[%get3A_1180, %get3A_1181] {strides = array<i32>} : memref<32x64xi32, #tpu.memory_space<vmem>>, vector<16xi32>,
    %broadcast_in_dim3A_1183 = arith.constant 13 : i32
    %broadcast_in_dim3A_1184 = vector.broadcast %broadcast_in_dim3A_1183 : i32 to vector<16xi32>
    %lt3A_1185 = arith.cmpi slt, %broadcast_in_dim3A_1184, %broadcast_in_dim3A : vector<16xi32>
    %broadcast_in_dim3A_1186 = arith.constant 0 : i32
    %broadcast_in_dim3A_1187 = vector.broadcast %broadcast_in_dim3A_1186 : i32 to vector<16xi32>
    %select_n3A_1188 = arith.select %lt3A_1185, %get3A_1182, %broadcast_in_dim3A_1187 : vector<16xi1>, vector<16xi32>
    %add3A_1189 = arith.addi %add3A_1178, %select_n3A_1188 : vector<16xi32>
    %get3A_1190 = arith.constant 14 : i32
    %get3A_1191 = arith.index_cast %get3A_1190 : i32 to index
    %get3A_1192 = arith.constant 48 : index
    %get3A_1193 = tpu.vector_load %arg8[%get3A_1191, %get3A_1192] {strides = array<i32>} : memref<32x64xi32, #tpu.memory_space<vmem>>, vector<16xi32>,
    %broadcast_in_dim3A_1194 = arith.constant 14 : i32
    %broadcast_in_dim3A_1195 = vector.broadcast %broadcast_in_dim3A_1194 : i32 to vector<16xi32>
    %lt3A_1196 = arith.cmpi slt, %broadcast_in_dim3A_1195, %broadcast_in_dim3A : vector<16xi32>
    %broadcast_in_dim3A_1197 = arith.constant 0 : i32
    %broadcast_in_dim3A_1198 = vector.broadcast %broadcast_in_dim3A_1197 : i32 to vector<16xi32>
    %select_n3A_1199 = arith.select %lt3A_1196, %get3A_1193, %broadcast_in_dim3A_1198 : vector<16xi1>, vector<16xi32>
    %add3A_1200 = arith.addi %add3A_1189, %select_n3A_1199 : vector<16xi32>
    %get3A_1201 = arith.constant 15 : i32
    %get3A_1202 = arith.index_cast %get3A_1201 : i32 to index
    %get3A_1203 = arith.constant 48 : index
    %get3A_1204 = tpu.vector_load %arg8[%get3A_1202, %get3A_1203] {strides = array<i32>} : memref<32x64xi32, #tpu.memory_space<vmem>>, vector<16xi32>,
    %broadcast_in_dim3A_1205 = arith.constant 15 : i32
    %broadcast_in_dim3A_1206 = vector.broadcast %broadcast_in_dim3A_1205 : i32 to vector<16xi32>
    %lt3A_1207 = arith.cmpi slt, %broadcast_in_dim3A_1206, %broadcast_in_dim3A : vector<16xi32>
    %broadcast_in_dim3A_1208 = arith.constant 0 : i32
    %broadcast_in_dim3A_1209 = vector.broadcast %broadcast_in_dim3A_1208 : i32 to vector<16xi32>
    %select_n3A_1210 = arith.select %lt3A_1207, %get3A_1204, %broadcast_in_dim3A_1209 : vector<16xi1>, vector<16xi32>
    %add3A_1211 = arith.addi %add3A_1200, %select_n3A_1210 : vector<16xi32>
    %get3A_1212 = arith.constant 16 : i32
    %get3A_1213 = arith.index_cast %get3A_1212 : i32 to index
    %get3A_1214 = arith.constant 48 : index
    %get3A_1215 = tpu.vector_load %arg8[%get3A_1213, %get3A_1214] {strides = array<i32>} : memref<32x64xi32, #tpu.memory_space<vmem>>, vector<16xi32>,
    %broadcast_in_dim3A_1216 = arith.constant 16 : i32
    %broadcast_in_dim3A_1217 = vector.broadcast %broadcast_in_dim3A_1216 : i32 to vector<16xi32>
    %lt3A_1218 = arith.cmpi slt, %broadcast_in_dim3A_1217, %broadcast_in_dim3A : vector<16xi32>
    %broadcast_in_dim3A_1219 = arith.constant 0 : i32
    %broadcast_in_dim3A_1220 = vector.broadcast %broadcast_in_dim3A_1219 : i32 to vector<16xi32>
    %select_n3A_1221 = arith.select %lt3A_1218, %get3A_1215, %broadcast_in_dim3A_1220 : vector<16xi1>, vector<16xi32>
    %add3A_1222 = arith.addi %add3A_1211, %select_n3A_1221 : vector<16xi32>
    %get3A_1223 = arith.constant 17 : i32
    %get3A_1224 = arith.index_cast %get3A_1223 : i32 to index
    %get3A_1225 = arith.constant 48 : index
    %get3A_1226 = tpu.vector_load %arg8[%get3A_1224, %get3A_1225] {strides = array<i32>} : memref<32x64xi32, #tpu.memory_space<vmem>>, vector<16xi32>,
    %broadcast_in_dim3A_1227 = arith.constant 17 : i32
    %broadcast_in_dim3A_1228 = vector.broadcast %broadcast_in_dim3A_1227 : i32 to vector<16xi32>
    %lt3A_1229 = arith.cmpi slt, %broadcast_in_dim3A_1228, %broadcast_in_dim3A : vector<16xi32>
    %broadcast_in_dim3A_1230 = arith.constant 0 : i32
    %broadcast_in_dim3A_1231 = vector.broadcast %broadcast_in_dim3A_1230 : i32 to vector<16xi32>
    %select_n3A_1232 = arith.select %lt3A_1229, %get3A_1226, %broadcast_in_dim3A_1231 : vector<16xi1>, vector<16xi32>
    %add3A_1233 = arith.addi %add3A_1222, %select_n3A_1232 : vector<16xi32>
    %get3A_1234 = arith.constant 18 : i32
    %get3A_1235 = arith.index_cast %get3A_1234 : i32 to index
    %get3A_1236 = arith.constant 48 : index
    %get3A_1237 = tpu.vector_load %arg8[%get3A_1235, %get3A_1236] {strides = array<i32>} : memref<32x64xi32, #tpu.memory_space<vmem>>, vector<16xi32>,
    %broadcast_in_dim3A_1238 = arith.constant 18 : i32
    %broadcast_in_dim3A_1239 = vector.broadcast %broadcast_in_dim3A_1238 : i32 to vector<16xi32>
    %lt3A_1240 = arith.cmpi slt, %broadcast_in_dim3A_1239, %broadcast_in_dim3A : vector<16xi32>
    %broadcast_in_dim3A_1241 = arith.constant 0 : i32
    %broadcast_in_dim3A_1242 = vector.broadcast %broadcast_in_dim3A_1241 : i32 to vector<16xi32>
    %select_n3A_1243 = arith.select %lt3A_1240, %get3A_1237, %broadcast_in_dim3A_1242 : vector<16xi1>, vector<16xi32>
    %add3A_1244 = arith.addi %add3A_1233, %select_n3A_1243 : vector<16xi32>
    %get3A_1245 = arith.constant 19 : i32
    %get3A_1246 = arith.index_cast %get3A_1245 : i32 to index
    %get3A_1247 = arith.constant 48 : index
    %get3A_1248 = tpu.vector_load %arg8[%get3A_1246, %get3A_1247] {strides = array<i32>} : memref<32x64xi32, #tpu.memory_space<vmem>>, vector<16xi32>,
    %broadcast_in_dim3A_1249 = arith.constant 19 : i32
    %broadcast_in_dim3A_1250 = vector.broadcast %broadcast_in_dim3A_1249 : i32 to vector<16xi32>
    %lt3A_1251 = arith.cmpi slt, %broadcast_in_dim3A_1250, %broadcast_in_dim3A : vector<16xi32>
    %broadcast_in_dim3A_1252 = arith.constant 0 : i32
    %broadcast_in_dim3A_1253 = vector.broadcast %broadcast_in_dim3A_1252 : i32 to vector<16xi32>
    %select_n3A_1254 = arith.select %lt3A_1251, %get3A_1248, %broadcast_in_dim3A_1253 : vector<16xi1>, vector<16xi32>
    %add3A_1255 = arith.addi %add3A_1244, %select_n3A_1254 : vector<16xi32>
    %get3A_1256 = arith.constant 20 : i32
    %get3A_1257 = arith.index_cast %get3A_1256 : i32 to index
    %get3A_1258 = arith.constant 48 : index
    %get3A_1259 = tpu.vector_load %arg8[%get3A_1257, %get3A_1258] {strides = array<i32>} : memref<32x64xi32, #tpu.memory_space<vmem>>, vector<16xi32>,
    %broadcast_in_dim3A_1260 = arith.constant 20 : i32
    %broadcast_in_dim3A_1261 = vector.broadcast %broadcast_in_dim3A_1260 : i32 to vector<16xi32>
    %lt3A_1262 = arith.cmpi slt, %broadcast_in_dim3A_1261, %broadcast_in_dim3A : vector<16xi32>
    %broadcast_in_dim3A_1263 = arith.constant 0 : i32
    %broadcast_in_dim3A_1264 = vector.broadcast %broadcast_in_dim3A_1263 : i32 to vector<16xi32>
    %select_n3A_1265 = arith.select %lt3A_1262, %get3A_1259, %broadcast_in_dim3A_1264 : vector<16xi1>, vector<16xi32>
    %add3A_1266 = arith.addi %add3A_1255, %select_n3A_1265 : vector<16xi32>
    %get3A_1267 = arith.constant 21 : i32
    %get3A_1268 = arith.index_cast %get3A_1267 : i32 to index
    %get3A_1269 = arith.constant 48 : index
    %get3A_1270 = tpu.vector_load %arg8[%get3A_1268, %get3A_1269] {strides = array<i32>} : memref<32x64xi32, #tpu.memory_space<vmem>>, vector<16xi32>,
    %broadcast_in_dim3A_1271 = arith.constant 21 : i32
    %broadcast_in_dim3A_1272 = vector.broadcast %broadcast_in_dim3A_1271 : i32 to vector<16xi32>
    %lt3A_1273 = arith.cmpi slt, %broadcast_in_dim3A_1272, %broadcast_in_dim3A : vector<16xi32>
    %broadcast_in_dim3A_1274 = arith.constant 0 : i32
    %broadcast_in_dim3A_1275 = vector.broadcast %broadcast_in_dim3A_1274 : i32 to vector<16xi32>
    %select_n3A_1276 = arith.select %lt3A_1273, %get3A_1270, %broadcast_in_dim3A_1275 : vector<16xi1>, vector<16xi32>
    %add3A_1277 = arith.addi %add3A_1266, %select_n3A_1276 : vector<16xi32>
    %get3A_1278 = arith.constant 22 : i32
    %get3A_1279 = arith.index_cast %get3A_1278 : i32 to index
    %get3A_1280 = arith.constant 48 : index
    %get3A_1281 = tpu.vector_load %arg8[%get3A_1279, %get3A_1280] {strides = array<i32>} : memref<32x64xi32, #tpu.memory_space<vmem>>, vector<16xi32>,
    %broadcast_in_dim3A_1282 = arith.constant 22 : i32
    %broadcast_in_dim3A_1283 = vector.broadcast %broadcast_in_dim3A_1282 : i32 to vector<16xi32>
    %lt3A_1284 = arith.cmpi slt, %broadcast_in_dim3A_1283, %broadcast_in_dim3A : vector<16xi32>
    %broadcast_in_dim3A_1285 = arith.constant 0 : i32
    %broadcast_in_dim3A_1286 = vector.broadcast %broadcast_in_dim3A_1285 : i32 to vector<16xi32>
    %select_n3A_1287 = arith.select %lt3A_1284, %get3A_1281, %broadcast_in_dim3A_1286 : vector<16xi1>, vector<16xi32>
    %add3A_1288 = arith.addi %add3A_1277, %select_n3A_1287 : vector<16xi32>
    %get3A_1289 = arith.constant 23 : i32
    %get3A_1290 = arith.index_cast %get3A_1289 : i32 to index
    %get3A_1291 = arith.constant 48 : index
    %get3A_1292 = tpu.vector_load %arg8[%get3A_1290, %get3A_1291] {strides = array<i32>} : memref<32x64xi32, #tpu.memory_space<vmem>>, vector<16xi32>,
    %broadcast_in_dim3A_1293 = arith.constant 23 : i32
    %broadcast_in_dim3A_1294 = vector.broadcast %broadcast_in_dim3A_1293 : i32 to vector<16xi32>
    %lt3A_1295 = arith.cmpi slt, %broadcast_in_dim3A_1294, %broadcast_in_dim3A : vector<16xi32>
    %broadcast_in_dim3A_1296 = arith.constant 0 : i32
    %broadcast_in_dim3A_1297 = vector.broadcast %broadcast_in_dim3A_1296 : i32 to vector<16xi32>
    %select_n3A_1298 = arith.select %lt3A_1295, %get3A_1292, %broadcast_in_dim3A_1297 : vector<16xi1>, vector<16xi32>
    %add3A_1299 = arith.addi %add3A_1288, %select_n3A_1298 : vector<16xi32>
    %get3A_1300 = arith.constant 24 : i32
    %get3A_1301 = arith.index_cast %get3A_1300 : i32 to index
    %get3A_1302 = arith.constant 48 : index
    %get3A_1303 = tpu.vector_load %arg8[%get3A_1301, %get3A_1302] {strides = array<i32>} : memref<32x64xi32, #tpu.memory_space<vmem>>, vector<16xi32>,
    %broadcast_in_dim3A_1304 = arith.constant 24 : i32
    %broadcast_in_dim3A_1305 = vector.broadcast %broadcast_in_dim3A_1304 : i32 to vector<16xi32>
    %lt3A_1306 = arith.cmpi slt, %broadcast_in_dim3A_1305, %broadcast_in_dim3A : vector<16xi32>
    %broadcast_in_dim3A_1307 = arith.constant 0 : i32
    %broadcast_in_dim3A_1308 = vector.broadcast %broadcast_in_dim3A_1307 : i32 to vector<16xi32>
    %select_n3A_1309 = arith.select %lt3A_1306, %get3A_1303, %broadcast_in_dim3A_1308 : vector<16xi1>, vector<16xi32>
    %add3A_1310 = arith.addi %add3A_1299, %select_n3A_1309 : vector<16xi32>
    %get3A_1311 = arith.constant 25 : i32
    %get3A_1312 = arith.index_cast %get3A_1311 : i32 to index
    %get3A_1313 = arith.constant 48 : index
    %get3A_1314 = tpu.vector_load %arg8[%get3A_1312, %get3A_1313] {strides = array<i32>} : memref<32x64xi32, #tpu.memory_space<vmem>>, vector<16xi32>,
    %broadcast_in_dim3A_1315 = arith.constant 25 : i32
    %broadcast_in_dim3A_1316 = vector.broadcast %broadcast_in_dim3A_1315 : i32 to vector<16xi32>
    %lt3A_1317 = arith.cmpi slt, %broadcast_in_dim3A_1316, %broadcast_in_dim3A : vector<16xi32>
    %broadcast_in_dim3A_1318 = arith.constant 0 : i32
    %broadcast_in_dim3A_1319 = vector.broadcast %broadcast_in_dim3A_1318 : i32 to vector<16xi32>
    %select_n3A_1320 = arith.select %lt3A_1317, %get3A_1314, %broadcast_in_dim3A_1319 : vector<16xi1>, vector<16xi32>
    %add3A_1321 = arith.addi %add3A_1310, %select_n3A_1320 : vector<16xi32>
    %get3A_1322 = arith.constant 26 : i32
    %get3A_1323 = arith.index_cast %get3A_1322 : i32 to index
    %get3A_1324 = arith.constant 48 : index
    %get3A_1325 = tpu.vector_load %arg8[%get3A_1323, %get3A_1324] {strides = array<i32>} : memref<32x64xi32, #tpu.memory_space<vmem>>, vector<16xi32>,
    %broadcast_in_dim3A_1326 = arith.constant 26 : i32
    %broadcast_in_dim3A_1327 = vector.broadcast %broadcast_in_dim3A_1326 : i32 to vector<16xi32>
    %lt3A_1328 = arith.cmpi slt, %broadcast_in_dim3A_1327, %broadcast_in_dim3A : vector<16xi32>
    %broadcast_in_dim3A_1329 = arith.constant 0 : i32
    %broadcast_in_dim3A_1330 = vector.broadcast %broadcast_in_dim3A_1329 : i32 to vector<16xi32>
    %select_n3A_1331 = arith.select %lt3A_1328, %get3A_1325, %broadcast_in_dim3A_1330 : vector<16xi1>, vector<16xi32>
    %add3A_1332 = arith.addi %add3A_1321, %select_n3A_1331 : vector<16xi32>
    %get3A_1333 = arith.constant 27 : i32
    %get3A_1334 = arith.index_cast %get3A_1333 : i32 to index
    %get3A_1335 = arith.constant 48 : index
    %get3A_1336 = tpu.vector_load %arg8[%get3A_1334, %get3A_1335] {strides = array<i32>} : memref<32x64xi32, #tpu.memory_space<vmem>>, vector<16xi32>,
    %broadcast_in_dim3A_1337 = arith.constant 27 : i32
    %broadcast_in_dim3A_1338 = vector.broadcast %broadcast_in_dim3A_1337 : i32 to vector<16xi32>
    %lt3A_1339 = arith.cmpi slt, %broadcast_in_dim3A_1338, %broadcast_in_dim3A : vector<16xi32>
    %broadcast_in_dim3A_1340 = arith.constant 0 : i32
    %broadcast_in_dim3A_1341 = vector.broadcast %broadcast_in_dim3A_1340 : i32 to vector<16xi32>
    %select_n3A_1342 = arith.select %lt3A_1339, %get3A_1336, %broadcast_in_dim3A_1341 : vector<16xi1>, vector<16xi32>
    %add3A_1343 = arith.addi %add3A_1332, %select_n3A_1342 : vector<16xi32>
    %get3A_1344 = arith.constant 28 : i32
    %get3A_1345 = arith.index_cast %get3A_1344 : i32 to index
    %get3A_1346 = arith.constant 48 : index
    %get3A_1347 = tpu.vector_load %arg8[%get3A_1345, %get3A_1346] {strides = array<i32>} : memref<32x64xi32, #tpu.memory_space<vmem>>, vector<16xi32>,
    %broadcast_in_dim3A_1348 = arith.constant 28 : i32
    %broadcast_in_dim3A_1349 = vector.broadcast %broadcast_in_dim3A_1348 : i32 to vector<16xi32>
    %lt3A_1350 = arith.cmpi slt, %broadcast_in_dim3A_1349, %broadcast_in_dim3A : vector<16xi32>
    %broadcast_in_dim3A_1351 = arith.constant 0 : i32
    %broadcast_in_dim3A_1352 = vector.broadcast %broadcast_in_dim3A_1351 : i32 to vector<16xi32>
    %select_n3A_1353 = arith.select %lt3A_1350, %get3A_1347, %broadcast_in_dim3A_1352 : vector<16xi1>, vector<16xi32>
    %add3A_1354 = arith.addi %add3A_1343, %select_n3A_1353 : vector<16xi32>
    %get3A_1355 = arith.constant 29 : i32
    %get3A_1356 = arith.index_cast %get3A_1355 : i32 to index
    %get3A_1357 = arith.constant 48 : index
    %get3A_1358 = tpu.vector_load %arg8[%get3A_1356, %get3A_1357] {strides = array<i32>} : memref<32x64xi32, #tpu.memory_space<vmem>>, vector<16xi32>,
    %broadcast_in_dim3A_1359 = arith.constant 29 : i32
    %broadcast_in_dim3A_1360 = vector.broadcast %broadcast_in_dim3A_1359 : i32 to vector<16xi32>
    %lt3A_1361 = arith.cmpi slt, %broadcast_in_dim3A_1360, %broadcast_in_dim3A : vector<16xi32>
    %broadcast_in_dim3A_1362 = arith.constant 0 : i32
    %broadcast_in_dim3A_1363 = vector.broadcast %broadcast_in_dim3A_1362 : i32 to vector<16xi32>
    %select_n3A_1364 = arith.select %lt3A_1361, %get3A_1358, %broadcast_in_dim3A_1363 : vector<16xi1>, vector<16xi32>
    %add3A_1365 = arith.addi %add3A_1354, %select_n3A_1364 : vector<16xi32>
    %get3A_1366 = arith.constant 30 : i32
    %get3A_1367 = arith.index_cast %get3A_1366 : i32 to index
    %get3A_1368 = arith.constant 48 : index
    %get3A_1369 = tpu.vector_load %arg8[%get3A_1367, %get3A_1368] {strides = array<i32>} : memref<32x64xi32, #tpu.memory_space<vmem>>, vector<16xi32>,
    %broadcast_in_dim3A_1370 = arith.constant 30 : i32
    %broadcast_in_dim3A_1371 = vector.broadcast %broadcast_in_dim3A_1370 : i32 to vector<16xi32>
    %lt3A_1372 = arith.cmpi slt, %broadcast_in_dim3A_1371, %broadcast_in_dim3A : vector<16xi32>
    %broadcast_in_dim3A_1373 = arith.constant 0 : i32
    %broadcast_in_dim3A_1374 = vector.broadcast %broadcast_in_dim3A_1373 : i32 to vector<16xi32>
    %select_n3A_1375 = arith.select %lt3A_1372, %get3A_1369, %broadcast_in_dim3A_1374 : vector<16xi1>, vector<16xi32>
    %add3A_1376 = arith.addi %add3A_1365, %select_n3A_1375 : vector<16xi32>
    %swap3A_1377 = arith.constant 48 : index
    %swap3A_1378 = tpu.vector_load %arg9[%swap3A_1377] {strides = array<i32>} : memref<64xi32, #tpu.memory_space<vmem>>, vector<16xi32>,
    tpu.vector_store %arg9[%swap3A_1377], %add3A_1376 {strides = array<i32>} : memref<64xi32, #tpu.memory_space<vmem>>, vector<16xi32>,
    %scan3A = arith.constant 0 : i32
    %scan3A_1379 = arith.constant 0 : i32
    %scan3A_1380 = arith.constant 64 : i32
    %scan3A_1381 = arith.addi %scan3A_1379, %scan3A_1380 : i32
    %scan3A_1382 = arith.constant 1 : i32
    scf.for %scan3A_1384 = %scan3A_1379 to %scan3A_1381 step %scan3A_1382  : i32 {
      %get3A_1385 = arith.index_cast %scan3A_1384 : i32 to index
      %get3A_1386 = arith.constant 0 : index
      %get3A_1387 = tpu.vector_load %arg6[%get3A_1385, %get3A_1386] {strides = array<i32>} : memref<64x16xi32, #tpu.memory_space<vmem>>, vector<16xi32>,
      %get3A_1388 = arith.index_cast %scan3A_1384 : i32 to index
      %get3A_1389 = arith.constant 0 : index
      %get3A_1390 = tpu.vector_load %arg7[%get3A_1388, %get3A_1389] {strides = array<i32>} : memref<64x16xi32, #tpu.memory_space<vmem>>, vector<16xi32>,
      %gather3A = tpu.vector_load_idx %arg9[%get3A_1387] : memref<64xi32, #tpu.memory_space<vmem>>[vector<16xi32>], vector<16xi32>,
      %add3A_1391 = arith.addi %get3A_1390, %gather3A : vector<16xi32>
      %swap3A_1392 = arith.index_cast %scan3A_1384 : i32 to index
      %swap3A_1393 = arith.constant 0 : index
      %swap3A_1394 = tpu.vector_load %arg7[%swap3A_1392, %swap3A_1393] {strides = array<i32>} : memref<64x16xi32, #tpu.memory_space<vmem>>, vector<16xi32>,
      tpu.vector_store %arg7[%swap3A_1392, %swap3A_1393], %add3A_1391 {strides = array<i32>} : memref<64x16xi32, #tpu.memory_space<vmem>>, vector<16xi32>,
    }
    %scan3A_1383 = arith.constant 64 : i32
    "tpu.region"() ({
      %run_scoped3A = tpu.sem_alloc : memref<!tpu.dma_semaphore, #tpu.memory_space<semaphore_mem>>
      %dma_start3A = arith.constant 0 : i32
      %dma_start3A_1384 = tpu.memref_slice %arg5[%mul3A_2, %dma_start3A] : memref<2048x16xi32, #tpu.memory_space<hbm>> -> memref<64x16xi32, #tpu.memory_space<hbm>>
      %dma_start3A_1385 = arith.constant 0 : i32
      %dma_start3A_1386 = tpu.memref_slice %arg5[%mul3A_2, %dma_start3A_1385] : memref<2048x16xi32, #tpu.memory_space<hbm>> -> memref<64x16xi32, #tpu.memory_space<hbm>>
      tpu.enqueue_dma source(%arg7 : memref<64x16xi32, #tpu.memory_space<vmem>>) target(%dma_start3A_1386 : memref<64x16xi32, #tpu.memory_space<hbm>>) target_semaphore(%run_scoped3A : memref<!tpu.dma_semaphore, #tpu.memory_space<semaphore_mem>>)
      %dma_wait3A = arith.constant 0 : i32
      %dma_wait3A_1387 = tpu.memref_slice %arg5[%mul3A_2, %dma_wait3A] : memref<2048x16xi32, #tpu.memory_space<hbm>> -> memref<64x16xi32, #tpu.memory_space<hbm>>
      %dma_wait3A_1388 = arith.constant 0 : i32
      %dma_wait3A_1389 = tpu.memref_slice %arg5[%mul3A_2, %dma_wait3A_1388] : memref<2048x16xi32, #tpu.memory_space<hbm>> -> memref<64x16xi32, #tpu.memory_space<hbm>>
      tpu.wait_dma2 semaphore(%run_scoped3A : memref<!tpu.dma_semaphore, #tpu.memory_space<semaphore_mem>>) src(%arg7 : memref<64x16xi32, #tpu.memory_space<vmem>>) dst(%dma_wait3A_1389 : memref<64x16xi32, #tpu.memory_space<hbm>>)
      tpu.yield
    }) : () -> ()
    return
  }
}

#map = affine_map<(d0, d1) -> (0, 0)>
module attributes {stable_mosaic.version = 14 : i64} {
  func.func @_ranks_sc(%arg0: i32, %arg1: i32, %arg2: memref<2048x16xi32, #tpu.memory_space<hbm>>, %arg3: memref<2048x16xi32, #tpu.memory_space<hbm>>, %arg4: memref<32x64xi32, #tpu.memory_space<hbm>>, %arg5: memref<64x16xi32, #tpu.memory_space<vmem>>, %arg6: memref<64x16xi32, #tpu.memory_space<vmem>>, %arg7: memref<64xi32, #tpu.memory_space<vmem>>) attributes {dimension_semantics = [#tpu.dimension_semantics<core_parallel>, #tpu.dimension_semantics<subcore_parallel>], iteration_bounds = array<i64: 2, 16>, scalar_prefetch = 0 : i64, scratch_operands = 3 : i64, tpu.core_type = #tpu.core_type<sc_vector_subcore>, window_params = [{transform_indices = #map}, {transform_indices = #map}, {transform_indices = #map}]} {
    %mul3A = arith.constant 2 : i32
    %mul3A_0 = arith.muli %arg1, %mul3A : i32
    %add3A = arith.addi %mul3A_0, %arg0 : i32
    %mul3A_1 = arith.constant 64 : i32
    %mul3A_2 = arith.muli %add3A, %mul3A_1 : i32
    "tpu.region"() ({
      %run_scoped3A = tpu.sem_alloc : memref<!tpu.dma_semaphore, #tpu.memory_space<semaphore_mem>>
      %dma_start3A = arith.constant 0 : i32
      %dma_start3A_22 = tpu.memref_slice %arg2[%mul3A_2, %dma_start3A] : memref<2048x16xi32, #tpu.memory_space<hbm>> -> memref<64x16xi32, #tpu.memory_space<hbm>>
      %dma_start3A_23 = arith.constant 0 : i32
      %dma_start3A_24 = tpu.memref_slice %arg2[%mul3A_2, %dma_start3A_23] : memref<2048x16xi32, #tpu.memory_space<hbm>> -> memref<64x16xi32, #tpu.memory_space<hbm>>
      tpu.enqueue_dma source(%dma_start3A_24 : memref<64x16xi32, #tpu.memory_space<hbm>>) target(%arg5 : memref<64x16xi32, #tpu.memory_space<vmem>>) target_semaphore(%run_scoped3A : memref<!tpu.dma_semaphore, #tpu.memory_space<semaphore_mem>>)
      %dma_wait3A = arith.constant 0 : i32
      %dma_wait3A_25 = tpu.memref_slice %arg2[%mul3A_2, %dma_wait3A] : memref<2048x16xi32, #tpu.memory_space<hbm>> -> memref<64x16xi32, #tpu.memory_space<hbm>>
      %dma_wait3A_26 = arith.constant 0 : i32
      %dma_wait3A_27 = tpu.memref_slice %arg2[%mul3A_2, %dma_wait3A_26] : memref<2048x16xi32, #tpu.memory_space<hbm>> -> memref<64x16xi32, #tpu.memory_space<hbm>>
      tpu.wait_dma2 semaphore(%run_scoped3A : memref<!tpu.dma_semaphore, #tpu.memory_space<semaphore_mem>>) src(%dma_wait3A_27 : memref<64x16xi32, #tpu.memory_space<hbm>>) dst(%arg5 : memref<64x16xi32, #tpu.memory_space<vmem>>)
      tpu.yield
    }) : () -> ()
    %broadcast_in_dim3A = arith.constant 0 : i32
    %broadcast_in_dim3A_3 = vector.broadcast %broadcast_in_dim3A : i32 to vector<16xi32>
    %swap3A = arith.constant 0 : index
    %swap3A_4 = tpu.vector_load %arg7[%swap3A] {strides = array<i32>} : memref<64xi32, #tpu.memory_space<vmem>>, vector<16xi32>,
    tpu.vector_store %arg7[%swap3A], %broadcast_in_dim3A_3 {strides = array<i32>} : memref<64xi32, #tpu.memory_space<vmem>>, vector<16xi32>,
    %broadcast_in_dim3A_5 = arith.constant 0 : i32
    %broadcast_in_dim3A_6 = vector.broadcast %broadcast_in_dim3A_5 : i32 to vector<16xi32>
    %swap3A_7 = arith.constant 16 : index
    %swap3A_8 = tpu.vector_load %arg7[%swap3A_7] {strides = array<i32>} : memref<64xi32, #tpu.memory_space<vmem>>, vector<16xi32>,
    tpu.vector_store %arg7[%swap3A_7], %broadcast_in_dim3A_6 {strides = array<i32>} : memref<64xi32, #tpu.memory_space<vmem>>, vector<16xi32>,
    %broadcast_in_dim3A_9 = arith.constant 0 : i32
    %broadcast_in_dim3A_10 = vector.broadcast %broadcast_in_dim3A_9 : i32 to vector<16xi32>
    %swap3A_11 = arith.constant 32 : index
    %swap3A_12 = tpu.vector_load %arg7[%swap3A_11] {strides = array<i32>} : memref<64xi32, #tpu.memory_space<vmem>>, vector<16xi32>,
    tpu.vector_store %arg7[%swap3A_11], %broadcast_in_dim3A_10 {strides = array<i32>} : memref<64xi32, #tpu.memory_space<vmem>>, vector<16xi32>,
    %broadcast_in_dim3A_13 = arith.constant 0 : i32
    %broadcast_in_dim3A_14 = vector.broadcast %broadcast_in_dim3A_13 : i32 to vector<16xi32>
    %swap3A_15 = arith.constant 48 : index
    %swap3A_16 = tpu.vector_load %arg7[%swap3A_15] {strides = array<i32>} : memref<64xi32, #tpu.memory_space<vmem>>, vector<16xi32>,
    tpu.vector_store %arg7[%swap3A_15], %broadcast_in_dim3A_14 {strides = array<i32>} : memref<64xi32, #tpu.memory_space<vmem>>, vector<16xi32>,
    %scan3A = arith.constant 0 : i32
    %scan3A_17 = arith.constant 0 : i32
    %scan3A_18 = arith.constant 64 : i32
    %scan3A_19 = arith.addi %scan3A_17, %scan3A_18 : i32
    %scan3A_20 = arith.constant 1 : i32
    scf.for %scan3A_22 = %scan3A_17 to %scan3A_19 step %scan3A_20  : i32 {
      %get3A = arith.index_cast %scan3A_22 : i32 to index
      %get3A_23 = arith.constant 0 : index
      %get3A_24 = tpu.vector_load %arg5[%get3A, %get3A_23] {strides = array<i32>} : memref<64x16xi32, #tpu.memory_space<vmem>>, vector<16xi32>,
      %gather3A = tpu.vector_load_idx %arg7[%get3A_24] : memref<64xi32, #tpu.memory_space<vmem>>[vector<16xi32>], vector<16xi32>,
      %broadcast_in_dim3A_25 = arith.constant true
      %broadcast_in_dim3A_26 = vector.broadcast %broadcast_in_dim3A_25 : i1 to vector<16xi1>
      %unique3A, %unique3A_27 = tpu.scan_count mask(%broadcast_in_dim3A_26 : vector<16xi1>) value(%get3A_24 : vector<16xi32>) : vector<16xi1>, vector<16xi32>
      %add3A_28 = arith.addi %gather3A, %unique3A_27 : vector<16xi32>
      %sub3A = arith.constant 1 : i32
      %sub3A_29 = vector.broadcast %sub3A : i32 to vector<16xi32>
      %sub3A_30 = arith.subi %add3A_28, %sub3A_29 : vector<16xi32>
      %swap3A_31 = arith.index_cast %scan3A_22 : i32 to index
      %swap3A_32 = arith.constant 0 : index
      %swap3A_33 = tpu.vector_load %arg6[%swap3A_31, %swap3A_32] {strides = array<i32>} : memref<64x16xi32, #tpu.memory_space<vmem>>, vector<16xi32>,
      tpu.vector_store %arg6[%swap3A_31, %swap3A_32], %sub3A_30 {strides = array<i32>} : memref<64x16xi32, #tpu.memory_space<vmem>>, vector<16xi32>,
      %add3A_34 = arith.addi %gather3A, %unique3A_27 : vector<16xi32>
      tpu.vector_store_idx %arg7[%get3A_24], %add3A_34 masked %unique3A : memref<64xi32, #tpu.memory_space<vmem>>[vector<16xi32>], vector<16xi32>, vector<16xi1>
    }
    %scan3A_21 = arith.constant 64 : i32
    "tpu.region"() ({
      %run_scoped3A = tpu.sem_alloc : memref<!tpu.dma_semaphore, #tpu.memory_space<semaphore_mem>>
      %dma_start3A = arith.constant 0 : i32
      %dma_start3A_22 = tpu.memref_slice %arg3[%mul3A_2, %dma_start3A] : memref<2048x16xi32, #tpu.memory_space<hbm>> -> memref<64x16xi32, #tpu.memory_space<hbm>>
      %dma_start3A_23 = arith.constant 0 : i32
      %dma_start3A_24 = tpu.memref_slice %arg3[%mul3A_2, %dma_start3A_23] : memref<2048x16xi32, #tpu.memory_space<hbm>> -> memref<64x16xi32, #tpu.memory_space<hbm>>
      tpu.enqueue_dma source(%arg6 : memref<64x16xi32, #tpu.memory_space<vmem>>) target(%dma_start3A_24 : memref<64x16xi32, #tpu.memory_space<hbm>>) target_semaphore(%run_scoped3A : memref<!tpu.dma_semaphore, #tpu.memory_space<semaphore_mem>>)
      %dma_wait3A = arith.constant 0 : i32
      %dma_wait3A_25 = tpu.memref_slice %arg3[%mul3A_2, %dma_wait3A] : memref<2048x16xi32, #tpu.memory_space<hbm>> -> memref<64x16xi32, #tpu.memory_space<hbm>>
      %dma_wait3A_26 = arith.constant 0 : i32
      %dma_wait3A_27 = tpu.memref_slice %arg3[%mul3A_2, %dma_wait3A_26] : memref<2048x16xi32, #tpu.memory_space<hbm>> -> memref<64x16xi32, #tpu.memory_space<hbm>>
      tpu.wait_dma2 semaphore(%run_scoped3A : memref<!tpu.dma_semaphore, #tpu.memory_space<semaphore_mem>>) src(%arg6 : memref<64x16xi32, #tpu.memory_space<vmem>>) dst(%dma_wait3A_27 : memref<64x16xi32, #tpu.memory_space<hbm>>)
      tpu.yield
    }) : () -> ()
    "tpu.region"() ({
      %run_scoped3A = tpu.sem_alloc : memref<!tpu.dma_semaphore, #tpu.memory_space<semaphore_mem>>
      %dma_start3A = arith.constant 0 : i32
      %dma_start3A_22 = tpu.memref_slice %arg4[%add3A, %dma_start3A] : memref<32x64xi32, #tpu.memory_space<hbm>> -> memref<1x64xi32, #tpu.memory_space<hbm>>
      %dma_start3A_23 = tpu.memref_squeeze %dma_start3A_22 : memref<1x64xi32, #tpu.memory_space<hbm>> -> memref<64xi32, #tpu.memory_space<hbm>>
      %dma_start3A_24 = arith.constant 0 : i32
      %dma_start3A_25 = tpu.memref_slice %arg4[%add3A, %dma_start3A_24] : memref<32x64xi32, #tpu.memory_space<hbm>> -> memref<1x64xi32, #tpu.memory_space<hbm>>
      %dma_start3A_26 = tpu.memref_squeeze %dma_start3A_25 : memref<1x64xi32, #tpu.memory_space<hbm>> -> memref<64xi32, #tpu.memory_space<hbm>>
      tpu.enqueue_dma source(%arg7 : memref<64xi32, #tpu.memory_space<vmem>>) target(%dma_start3A_26 : memref<64xi32, #tpu.memory_space<hbm>>) target_semaphore(%run_scoped3A : memref<!tpu.dma_semaphore, #tpu.memory_space<semaphore_mem>>)
      %dma_wait3A = arith.constant 0 : i32
      %dma_wait3A_27 = tpu.memref_slice %arg4[%add3A, %dma_wait3A] : memref<32x64xi32, #tpu.memory_space<hbm>> -> memref<1x64xi32, #tpu.memory_space<hbm>>
      %dma_wait3A_28 = tpu.memref_squeeze %dma_wait3A_27 : memref<1x64xi32, #tpu.memory_space<hbm>> -> memref<64xi32, #tpu.memory_space<hbm>>
      %dma_wait3A_29 = arith.constant 0 : i32
      %dma_wait3A_30 = tpu.memref_slice %arg4[%add3A, %dma_wait3A_29] : memref<32x64xi32, #tpu.memory_space<hbm>> -> memref<1x64xi32, #tpu.memory_space<hbm>>
      %dma_wait3A_31 = tpu.memref_squeeze %dma_wait3A_30 : memref<1x64xi32, #tpu.memory_space<hbm>> -> memref<64xi32, #tpu.memory_space<hbm>>
      tpu.wait_dma2 semaphore(%run_scoped3A : memref<!tpu.dma_semaphore, #tpu.memory_space<semaphore_mem>>) src(%arg7 : memref<64xi32, #tpu.memory_space<vmem>>) dst(%dma_wait3A_31 : memref<64xi32, #tpu.memory_space<hbm>>)
      tpu.yield
    }) : () -> ()
    return
  }
}

module attributes {stable_mosaic.version = 14 : i64} {
  func.func @_router_body(%arg0: i32, %arg1: memref<4096x768xf32, #tpu.memory_space<vmem>>, %arg2: memref<64x768xf32, #tpu.memory_space<vmem>>, %arg3: memref<1x1x4096xf32, #tpu.memory_space<vmem>>, %arg4: memref<1x1x4096xi32, #tpu.memory_space<vmem>>, %arg5: memref<1x1xf32, #tpu.memory_space<vmem>>, %arg6: memref<1x1xf32, #tpu.memory_space<vmem>>, %arg7: memref<64x4096xf32, #tpu.memory_space<vmem>>, %arg8: memref<64x4096xf32, #tpu.memory_space<vmem>>, %arg9: memref<1x4096xf32, #tpu.memory_space<vmem>>) attributes {dimension_semantics = [#tpu.dimension_semantics<arbitrary>], iteration_bounds = array<i64: 8>, scalar_prefetch = 0 : i64, scratch_operands = 3 : i64, tpu.core_type = #tpu.core_type<tc>, window_params = [{transform_indices = @transform_0, window_bounds = array<i64: 4096, 768>}, {pipeline_mode = #tpu.pipeline_mode<synchronous>, transform_indices = @transform_1, window_bounds = array<i64: 64, 768>}, {transform_indices = @transform_2, window_bounds = array<i64: 1, 1, 4096>}, {transform_indices = @transform_3, window_bounds = array<i64: 1, 1, 4096>}, {pipeline_mode = #tpu.pipeline_mode<synchronous>, transform_indices = @transform_4, window_bounds = array<i64: 1, 1>}, {pipeline_mode = #tpu.pipeline_mode<synchronous>, transform_indices = @transform_5, window_bounds = array<i64: 1, 1>}]} {
    %eq3A = arith.constant 0 : i32
    %eq3A_0 = arith.cmpi eq, %arg0, %eq3A : i32
    %convert_element_type3A = arith.extui %eq3A_0 : i1 to i32
    %cond3A = arith.constant 0 : i32
    %cond3A_1 = arith.cmpi ne, %convert_element_type3A, %cond3A : i32
    scf.if %cond3A_1 {
      %broadcast_in_dim3A_63 = arith.constant 0.000000e+00 : f32
      %broadcast_in_dim3A_64 = vector.broadcast %broadcast_in_dim3A_63 : f32 to vector<64x4096xf32>
      %swap3A_65 = arith.constant 0 : index
      %swap3A_66 = arith.constant 0 : index
      %swap3A_67 = vector.load %arg7[%swap3A_65, %swap3A_66] : memref<64x4096xf32, #tpu.memory_space<vmem>>, vector<64x4096xf32>
      tpu.vector_store %arg7[%swap3A_65, %swap3A_66], %broadcast_in_dim3A_64 {strides = array<i32>} : memref<64x4096xf32, #tpu.memory_space<vmem>>, vector<64x4096xf32>,
      %broadcast_in_dim3A_68 = arith.constant 0.000000e+00 : f32
      %broadcast_in_dim3A_69 = vector.broadcast %broadcast_in_dim3A_68 : f32 to vector<64x4096xf32>
      %swap3A_70 = arith.constant 0 : index
      %swap3A_71 = arith.constant 0 : index
      %swap3A_72 = vector.load %arg8[%swap3A_70, %swap3A_71] : memref<64x4096xf32, #tpu.memory_space<vmem>>, vector<64x4096xf32>
      tpu.vector_store %arg8[%swap3A_70, %swap3A_71], %broadcast_in_dim3A_69 {strides = array<i32>} : memref<64x4096xf32, #tpu.memory_space<vmem>>, vector<64x4096xf32>,
      %broadcast_in_dim3A_73 = arith.constant 0.000000e+00 : f32
      %broadcast_in_dim3A_74 = vector.broadcast %broadcast_in_dim3A_73 : f32 to vector<1x4096xf32>
      %swap3A_75 = arith.constant 0 : index
      %swap3A_76 = arith.constant 0 : index
      %swap3A_77 = vector.load %arg9[%swap3A_75, %swap3A_76] : memref<1x4096xf32, #tpu.memory_space<vmem>>, vector<1x4096xf32>
      tpu.vector_store %arg9[%swap3A_75, %swap3A_76], %broadcast_in_dim3A_74 {strides = array<i32>} : memref<1x4096xf32, #tpu.memory_space<vmem>>, vector<1x4096xf32>,
    } else {
    }
    %get3A = arith.constant 0 : index
    %get3A_2 = arith.constant 0 : index
    %get3A_3 = vector.load %arg2[%get3A, %get3A_2] : memref<64x768xf32, #tpu.memory_space<vmem>>, vector<64x768xf32>
    %get3A_4 = arith.constant 0 : index
    %get3A_5 = arith.constant 0 : index
    %get3A_6 = vector.load %arg1[%get3A_4, %get3A_5] : memref<4096x768xf32, #tpu.memory_space<vmem>>, vector<4096x768xf32>
    %dot_general3A = arith.constant dense<0.000000e+00> : vector<64x4096xf32>
    %dot_general3A_7 = tpu.matmul %get3A_3, %get3A_6, %dot_general3A {dimension_numbers = #tpu.dot_dimension_numbers<[1], [1], [0], [0], [0, 0, 1, 0], [], []>, transpose_lhs_hint = false} : vector<64x768xf32>, vector<4096x768xf32>, vector<64x4096xf32> -> vector<64x4096xf32>
    %reduce_max3A = arith.constant dense<0xFF800000> : vector<4096xf32>
    %reduce_max3A_8 = vector.multi_reduction <maximumf>, %dot_general3A_7, %reduce_max3A [0] : vector<64x4096xf32> to vector<4096xf32>
    %broadcast_in_dim3A = vector.shape_cast %reduce_max3A_8 : vector<4096xf32> to vector<1x4096xf32>
    %sub3A = vector.broadcast %broadcast_in_dim3A : vector<1x4096xf32> to vector<64x4096xf32>
    %sub3A_9 = arith.subf %dot_general3A_7, %sub3A : vector<64x4096xf32>
    %exp3A = math.exp %sub3A_9 : vector<64x4096xf32>
    %reduce_sum3A = arith.constant dense<0.000000e+00> : vector<4096xf32>
    %reduce_sum3A_10 = vector.multi_reduction <add>, %exp3A, %reduce_sum3A [0] : vector<64x4096xf32> to vector<4096xf32>
    %broadcast_in_dim3A_11 = vector.shape_cast %reduce_sum3A_10 : vector<4096xf32> to vector<1x4096xf32>
    %mul3A = arith.mulf %exp3A, %sub3A_9 : vector<64x4096xf32>
    %reduce_sum3A_12 = arith.constant dense<0.000000e+00> : vector<4096xf32>
    %reduce_sum3A_13 = vector.multi_reduction <add>, %mul3A, %reduce_sum3A_12 [0] : vector<64x4096xf32> to vector<4096xf32>
    %broadcast_in_dim3A_14 = vector.shape_cast %reduce_sum3A_13 : vector<4096xf32> to vector<1x4096xf32>
    %div3A = arith.constant 1.000000e+00 : f32
    %div3A_15 = vector.broadcast %div3A : f32 to vector<1x4096xf32>
    %div3A_16 = arith.divf %div3A_15, %broadcast_in_dim3A_11 : vector<1x4096xf32>
    %get3A_17 = arith.constant 0 : index
    %get3A_18 = arith.constant 0 : index
    %get3A_19 = vector.load %arg9[%get3A_17, %get3A_18] : memref<1x4096xf32, #tpu.memory_space<vmem>>, vector<1x4096xf32>
    %log3A = math.log %broadcast_in_dim3A_11 : vector<1x4096xf32>
    %mul3A_20 = arith.mulf %broadcast_in_dim3A_14, %div3A_16 : vector<1x4096xf32>
    %sub3A_21 = arith.subf %log3A, %mul3A_20 : vector<1x4096xf32>
    %add3A = arith.addf %get3A_19, %sub3A_21 : vector<1x4096xf32>
    %swap3A = arith.constant 0 : index
    %swap3A_22 = arith.constant 0 : index
    %swap3A_23 = vector.load %arg9[%swap3A, %swap3A_22] : memref<1x4096xf32, #tpu.memory_space<vmem>>, vector<1x4096xf32>
    tpu.vector_store %arg9[%swap3A, %swap3A_22], %add3A {strides = array<i32>} : memref<1x4096xf32, #tpu.memory_space<vmem>>, vector<1x4096xf32>,
    %reshape3A = vector.shape_cast %div3A_16 : vector<1x4096xf32> to vector<1x1x4096xf32>
    %swap3A_24 = arith.constant 0 : index
    %swap3A_25 = arith.constant 0 : index
    %swap3A_26 = arith.constant 0 : index
    %swap3A_27 = vector.load %arg3[%swap3A_24, %swap3A_25, %swap3A_26] : memref<1x1x4096xf32, #tpu.memory_space<vmem>>, vector<1x1x4096xf32>
    tpu.vector_store %arg3[%swap3A_24, %swap3A_25, %swap3A_26], %reshape3A {strides = array<i32>} : memref<1x1x4096xf32, #tpu.memory_space<vmem>>, vector<1x1x4096xf32>,
    %get3A_28 = arith.constant 0 : index
    %get3A_29 = arith.constant 0 : index
    %get3A_30 = vector.load %arg8[%get3A_28, %get3A_29] : memref<64x4096xf32, #tpu.memory_space<vmem>>, vector<64x4096xf32>
    %mul3A_31 = vector.broadcast %div3A_16 : vector<1x4096xf32> to vector<64x4096xf32>
    %mul3A_32 = arith.mulf %exp3A, %mul3A_31 : vector<64x4096xf32>
    %add3A_33 = arith.addf %get3A_30, %mul3A_32 : vector<64x4096xf32>
    %swap3A_34 = arith.constant 0 : index
    %swap3A_35 = arith.constant 0 : index
    %swap3A_36 = vector.load %arg8[%swap3A_34, %swap3A_35] : memref<64x4096xf32, #tpu.memory_space<vmem>>, vector<64x4096xf32>
    tpu.vector_store %arg8[%swap3A_34, %swap3A_35], %add3A_33 {strides = array<i32>} : memref<64x4096xf32, #tpu.memory_space<vmem>>, vector<64x4096xf32>,
    %iota3A = tpu.iota {dimensions = array<i32: 0>} : vector<64x4096xi32>
    %eq3A_37 = vector.broadcast %broadcast_in_dim3A : vector<1x4096xf32> to vector<64x4096xf32>
    %eq3A_38 = arith.cmpf oeq, %dot_general3A_7, %eq3A_37 : vector<64x4096xf32>
    %jit3A = arith.constant 64 : i32
    %broadcast_in_dim3A_39 = vector.broadcast %jit3A : i32 to vector<64x4096xi32>
    %select_n3A = arith.select %eq3A_38, %iota3A, %broadcast_in_dim3A_39 : vector<64x4096xi1>, vector<64x4096xi32>
    %reduce_min3A = arith.constant dense<2147483647> : vector<4096xi32>
    %reduce_min3A_40 = vector.multi_reduction <minsi>, %select_n3A, %reduce_min3A [0] : vector<64x4096xi32> to vector<4096xi32>
    %broadcast_in_dim3A_41 = vector.shape_cast %reduce_min3A_40 : vector<4096xi32> to vector<1x4096xi32>
    %reshape3A_42 = vector.shape_cast %broadcast_in_dim3A_41 : vector<1x4096xi32> to vector<1x1x4096xi32>
    %swap3A_43 = arith.constant 0 : index
    %swap3A_44 = arith.constant 0 : index
    %swap3A_45 = arith.constant 0 : index
    %swap3A_46 = vector.load %arg4[%swap3A_43, %swap3A_44, %swap3A_45] : memref<1x1x4096xi32, #tpu.memory_space<vmem>>, vector<1x1x4096xi32>
    tpu.vector_store %arg4[%swap3A_43, %swap3A_44, %swap3A_45], %reshape3A_42 {strides = array<i32>} : memref<1x1x4096xi32, #tpu.memory_space<vmem>>, vector<1x1x4096xi32>,
    %get3A_47 = arith.constant 0 : index
    %get3A_48 = arith.constant 0 : index
    %get3A_49 = vector.load %arg7[%get3A_47, %get3A_48] : memref<64x4096xf32, #tpu.memory_space<vmem>>, vector<64x4096xf32>
    %eq3A_50 = vector.broadcast %broadcast_in_dim3A_41 : vector<1x4096xi32> to vector<64x4096xi32>
    %eq3A_51 = arith.cmpi eq, %iota3A, %eq3A_50 : vector<64x4096xi32>
    %convert_element_type3A_52 = arith.extui %eq3A_51 : vector<64x4096xi1> to vector<64x4096xi32>
    %convert_element_type3A_53 = arith.sitofp %convert_element_type3A_52 : vector<64x4096xi32> to vector<64x4096xf32>
    %add3A_54 = arith.addf %get3A_49, %convert_element_type3A_53 : vector<64x4096xf32>
    %swap3A_55 = arith.constant 0 : index
    %swap3A_56 = arith.constant 0 : index
    %swap3A_57 = vector.load %arg7[%swap3A_55, %swap3A_56] : memref<64x4096xf32, #tpu.memory_space<vmem>>, vector<64x4096xf32>
    tpu.vector_store %arg7[%swap3A_55, %swap3A_56], %add3A_54 {strides = array<i32>} : memref<64x4096xf32, #tpu.memory_space<vmem>>, vector<64x4096xf32>,
    %eq3A_58 = arith.constant 7 : i32
    %eq3A_59 = arith.cmpi eq, %arg0, %eq3A_58 : i32
    %convert_element_type3A_60 = arith.extui %eq3A_59 : i1 to i32
    %cond3A_61 = arith.constant 0 : i32
    %cond3A_62 = arith.cmpi ne, %convert_element_type3A_60, %cond3A_61 : i32
    scf.if %cond3A_62 {
      %get3A_63 = arith.constant 0 : index
      %get3A_64 = arith.constant 0 : index
      %get3A_65 = vector.load %arg8[%get3A_63, %get3A_64] : memref<64x4096xf32, #tpu.memory_space<vmem>>, vector<64x4096xf32>
      %reduce_sum3A_66 = arith.constant dense<0.000000e+00> : vector<64xf32>
      %reduce_sum3A_67 = vector.multi_reduction <add>, %get3A_65, %reduce_sum3A_66 [1] : vector<64x4096xf32> to vector<64xf32>
      %broadcast_in_dim3A_68 = vector.shape_cast %reduce_sum3A_67 : vector<64xf32> to vector<64x1xf32>
      %get3A_69 = arith.constant 0 : index
      %get3A_70 = arith.constant 0 : index
      %get3A_71 = vector.load %arg7[%get3A_69, %get3A_70] : memref<64x4096xf32, #tpu.memory_space<vmem>>, vector<64x4096xf32>
      %reduce_sum3A_72 = arith.constant dense<0.000000e+00> : vector<64xf32>
      %reduce_sum3A_73 = vector.multi_reduction <add>, %get3A_71, %reduce_sum3A_72 [1] : vector<64x4096xf32> to vector<64xf32>
      %broadcast_in_dim3A_74 = vector.shape_cast %reduce_sum3A_73 : vector<64xf32> to vector<64x1xf32>
      %mul3A_75 = arith.mulf %broadcast_in_dim3A_68, %broadcast_in_dim3A_74 : vector<64x1xf32>
      %reduce_sum3A_76 = arith.constant dense<0.000000e+00> : vector<1xf32>
      %reduce_sum3A_77 = vector.multi_reduction <add>, %mul3A_75, %reduce_sum3A_76 [0] : vector<64x1xf32> to vector<1xf32>
      %broadcast_in_dim3A_78 = vector.shape_cast %reduce_sum3A_77 : vector<1xf32> to vector<1x1xf32>
      %mul3A_79 = arith.constant 5.96046448E-8 : f32
      %mul3A_80 = vector.broadcast %mul3A_79 : f32 to vector<1x1xf32>
      %mul3A_81 = arith.mulf %broadcast_in_dim3A_78, %mul3A_80 : vector<1x1xf32>
      %swap3A_82 = arith.constant 0 : index
      %swap3A_83 = arith.constant 0 : index
      %swap3A_84 = vector.load %arg5[%swap3A_82, %swap3A_83] : memref<1x1xf32, #tpu.memory_space<vmem>>, vector<1x1xf32>
      tpu.vector_store %arg5[%swap3A_82, %swap3A_83], %mul3A_81 {strides = array<i32>} : memref<1x1xf32, #tpu.memory_space<vmem>>, vector<1x1xf32>,
      %get3A_85 = arith.constant 0 : index
      %get3A_86 = arith.constant 0 : index
      %get3A_87 = vector.load %arg9[%get3A_85, %get3A_86] : memref<1x4096xf32, #tpu.memory_space<vmem>>, vector<1x4096xf32>
      %reduce_sum3A_88 = arith.constant dense<0.000000e+00> : vector<1xf32>
      %reduce_sum3A_89 = vector.multi_reduction <add>, %get3A_87, %reduce_sum3A_88 [1] : vector<1x4096xf32> to vector<1xf32>
      %broadcast_in_dim3A_90 = vector.shape_cast %reduce_sum3A_89 : vector<1xf32> to vector<1x1xf32>
      %div3A_91 = arith.constant 3.276800e+04 : f32
      %div3A_92 = vector.broadcast %div3A_91 : f32 to vector<1x1xf32>
      %div3A_93 = arith.divf %broadcast_in_dim3A_90, %div3A_92 : vector<1x1xf32>
      %swap3A_94 = arith.constant 0 : index
      %swap3A_95 = arith.constant 0 : index
      %swap3A_96 = vector.load %arg6[%swap3A_94, %swap3A_95] : memref<1x1xf32, #tpu.memory_space<vmem>>, vector<1x1xf32>
      tpu.vector_store %arg6[%swap3A_94, %swap3A_95], %div3A_93 {strides = array<i32>} : memref<1x1xf32, #tpu.memory_space<vmem>>, vector<1x1xf32>,
    } else {
    }
    return
  }
  func.func @transform_0(%arg0: i32) -> (i32, i32) {
    %c0_i32 = arith.constant 0 : i32
    %c0_i32_0 = arith.constant 0 : i32
    return %arg0, %c0_i32 : i32, i32
  }
  func.func @transform_1(%arg0: i32) -> (i32, i32) {
    %c0_i32 = arith.constant 0 : i32
    %c0_i32_0 = arith.constant 0 : i32
    %c0_i32_1 = arith.constant 0 : i32
    return %c0_i32, %c0_i32_0 : i32, i32
  }
  func.func @transform_2(%arg0: i32) -> (i32, i32, i32) {
    %c0_i32 = arith.constant 0 : i32
    %c0_i32_0 = arith.constant 0 : i32
    %c0_i32_1 = arith.constant 0 : i32
    return %arg0, %c0_i32, %c0_i32_0 : i32, i32, i32
  }
  func.func @transform_3(%arg0: i32) -> (i32, i32, i32) {
    %c0_i32 = arith.constant 0 : i32
    %c0_i32_0 = arith.constant 0 : i32
    %c0_i32_1 = arith.constant 0 : i32
    return %arg0, %c0_i32, %c0_i32_0 : i32, i32, i32
  }
  func.func @transform_4(%arg0: i32) -> (i32, i32) {
    %c0_i32 = arith.constant 0 : i32
    %c0_i32_0 = arith.constant 0 : i32
    %c0_i32_1 = arith.constant 0 : i32
    return %c0_i32, %c0_i32_0 : i32, i32
  }
  func.func @transform_5(%arg0: i32) -> (i32, i32) {
    %c0_i32 = arith.constant 0 : i32
    %c0_i32_0 = arith.constant 0 : i32
    %c0_i32_1 = arith.constant 0 : i32
    return %c0_i32, %c0_i32_0 : i32, i32
  }
}

</mosaic_0001>

<sc_bundles>
// kernel: kernel.5.cloned.1.call-start
scs
__scs_entry_jumppad:
0x0: {  	(pc) =	sbr.rel $0x88, $3  }
0x1: {  	(tag) =	ssettag $0x0;
	lr =	simm.s32 $0x1  }
0x2: {  	[smem:$0x3F9F] =	sst lr;
	_ =	strace $0xD0000000  }
0x3: {  	_ = 	snop  }
0x4: {  	_ = 	snop  }
0x5: {  	_ = 	snop  }
0x6: {  	_ = 	snop  }
0x7: {  	_ = 	snop  }
__scs_overlays_trampoline_lowered:
0x8: {  	[smem:$0x3FAE] =	sst s0  }
0x9: {  	[smem:$0x3FAF] =	sst s1  }
0xa: {  	[smem:$0x3FB0] =	sst s2  }
0xb: {  	[smem:$0x3FB1] =	sst s3  }
0xc: {  	[smem:$0x3FB2] =	sst s4  }
0xd: {  	[smem:$0x3FB3] =	sst s5  }
0xe: {  	[smem:$0x3FB4] =	sst s6  }
0xf: {  	[smem:$0x3FB5] =	sst s7  }
0x10: {  	[smem:$0x3FB6] =	sst s8  }
0x11: {  	[smem:$0x3FB7] =	sst s9;
	s0 =	simm.s32 @!p0 $0x0  }
0x12: {  	s1 =	sld [smem:$0x3F9D];
	s0 =	simm.s32 @p0 $0x1  }
0x13: {  	[smem:$0x3FB8] =	sst s0;
	s0 =	simm.s32 @!p1 $0x0  }
0x14: {  	s2 =	sld [smem:$0x3F9C];
	s0 =	simm.s32 @p1 $0x1  }
0x15: {  	[smem:$0x3FB9] =	sst s0;
	s0 =	simm.s32 @!p2 $0x0  }
0x16: {  	s3 =	sld [smem:$0x3FDB];
	s0 =	simm.s32 @p2 $0x1  }
0x17: {  	s4 =	simm.s32 $0x1BF5;
	[smem:$0x3FBB] =	sst s0  }
0x18: {  	s0 =	sld [smem:$0x3F9E];
	_ =	swait.ge [sflag:s4], $0x0  }
0x19: {  	s7 =	sld [smem:$0x3F9F]  }
0x1a: {  	s8 =	sadd.s32 $0xFFFFE003, lr  }
0x1b: {  	s9 =	sadd.s32 $0xFFFFFEF7, lr;
	s5 =	simm.s32 $0xFFFFFFFF;
	p2 =	slt.u32 s8, $0xFFFFF086  }
0x1c: {  	p1 =	slt.u32 s9, $0xF7A;
	s5 =	simm.s32 @!p2 $0x0  }
0x1d: {  	s5 =	simm.s32 @p1 $0x1;
	p0 =	seq.s32 s7, s2  }
0x1e: {  	s7 =	smul.u32 @!p0 $0xF7A, s2;
	p2 =	seq.s32 @!p0 s5, $0x0  }
0x1f: {  	s9 =	smul.u32 $0xF7A, s1;
	s8 =	simm.s32 @!p0 $0x1BF5;
	p2 =	por !p2, p0  }
0x20: {  	[sflag:s8] =	ssyncset.s32 @!p0 $0xFFFFF086;
	s6 =	sadd.s32 @!p0 s3, s7;
	s7 =	simm.s32 @!p0 $0x108  }
0x21: {  	s3 =	sadd.s32 s3, s9;
	s6 =	sadd.s32 @!p0 $0x88, s6;
	s7 =	simm.s32 @p2 $0x1082  }
0x22: {  	[simem:s7], [sflag:s8] =	dma.local @!p0 [hbm:s6], $0xF7A  }
0x23: {  	s9 =	sor.u32 $0xD0000000, s2;
	s6 =	simm.s32 $0x108;
	_ =	swait.ge @!p0 [sflag:s8], $0x0  }
0x24: {  	s3 =	sadd.s32 $0x88, s3;
	s6 =	simm.s32 @!p1 $0x1082;
	[sflag:s4] =	ssyncset.s32 $0xFFFFF086  }
0x25: {  	[simem:s6], [sflag:s4] =	dma.local [hbm:s3], $0xF7A  }
0x26: {  	[smem:$0x3F9F] =	sst s1;
	(tag) =	ssettag s2;
	_ =	strace s9  }
0x27: {  	s1 =	sld [smem:$0x3FAF]  }
0x28: {  	s2 =	sld [smem:$0x3FB0]  }
0x29: {  	s4 =	sld [smem:$0x3FB2]  }
0x2a: {  	p0 =	seq.s32 s5, $0x0;
	s5 =	sld [smem:$0x3FB3]  }
0x2b: {  	s6 =	sld [smem:$0x3FB4]  }
0x2c: {  	s7 =	sld [smem:$0x3FB5]  }
0x2d: {  	s3 =	simm.s32 $0x108;
	s8 =	sld [smem:$0x3FB6]  }
0x2e: {  	s3 =	simm.s32 @!p0 $0x1082;
	s9 =	sld [smem:$0x3FB7]  }
0x2f: {  	lr =	sadd.s32 s0, s3;
	s0 =	sld [smem:$0x3FAE]  }
0x30: {  	s3 =	sld [smem:$0x3FB1]  }
0x31: {  	[smem:$0x3FBA] =	sst s10  }
0x32: {  	s10 =	sld [smem:$0x3FB8];
	_ =	sdelay $0x3  }
0x33: {  	p0 =	seq.s32 s10, $0x1;
	s10 =	sld [smem:$0x3FBA];
	_ =	sdelay $0x3  }
0x34: {  	[smem:$0x3FBA] =	sst s10  }
0x35: {  	s10 =	sld [smem:$0x3FB9];
	_ =	sdelay $0x3  }
0x36: {  	p1 =	seq.s32 s10, $0x1;
	s10 =	sld [smem:$0x3FBA];
	_ =	sdelay $0x3  }
0x37: {  	[smem:$0x3FBA] =	sst s10  }
0x38: {  	s10 =	sld [smem:$0x3FBB]  }
0x39: {  	_ = 	snop;
	(pc) =	sbr.ind lr, $3  }
0x3a: {  	_ = 	snop  }
0x3b: {  	_ = 	snop  }
0x3c: {  	p2 =	seq.s32 s10, $0x1;
	s10 =	sld [smem:$0x3FBA]  }
0x3d: {  	_ =	shalt  }
0x3e: {  	_ =	shalt  }
0x3f: {  	_ =	shalt  }
0x40: {  	_ =	shalt  }
0x41: {  	_ =	shalt  }
0x42: {  	_ =	shalt  }
0x43: {  	_ =	shalt  }
0x44: {  	_ =	shalt  }
0x45: {  	_ =	shalt  }
0x46: {  	_ =	shalt  }
0x47: {  	_ =	shalt  }
0x48: {  	_ =	shalt  }
0x49: {  	_ =	shalt  }
0x4a: {  	_ =	shalt  }
0x4b: {  	_ =	shalt  }
0x4c: {  	_ =	shalt  }
0x4d: {  	_ =	shalt  }
0x4e: {  	_ =	shalt  }
0x4f: {  	_ =	shalt  }
0x50: {  	_ =	shalt  }
0x51: {  	_ =	shalt  }
0x52: {  	_ =	shalt  }
0x53: {  	_ =	shalt  }
0x54: {  	_ =	shalt  }
0x55: {  	_ =	shalt  }
0x56: {  	_ =	shalt  }
0x57: {  	_ =	shalt  }
0x58: {  	_ =	shalt  }
0x59: {  	_ =	shalt  }
0x5a: {  	_ =	shalt  }
0x5b: {  	_ =	shalt  }
0x5c: {  	_ =	shalt  }
0x5d: {  	_ =	shalt  }
0x5e: {  	_ =	shalt  }
0x5f: {  	_ =	shalt  }
0x60: {  	_ =	shalt  }
0x61: {  	_ =	shalt  }
0x62: {  	_ =	shalt  }
0x63: {  	_ =	shalt  }
0x64: {  	_ =	shalt  }
0x65: {  	_ =	shalt  }
0x66: {  	_ =	shalt  }
0x67: {  	_ =	shalt  }
0x68: {  	_ =	shalt  }
0x69: {  	_ =	shalt  }
0x6a: {  	_ =	shalt  }
0x6b: {  	_ =	shalt  }
0x6c: {  	_ =	shalt  }
0x6d: {  	_ =	shalt  }
0x6e: {  	_ =	shalt  }
0x6f: {  	_ =	shalt  }
0x70: {  	_ =	shalt  }
0x71: {  	_ =	shalt  }
0x72: {  	_ =	shalt  }
0x73: {  	_ =	shalt  }
0x74: {  	_ =	shalt  }
0x75: {  	_ =	shalt  }
0x76: {  	_ =	shalt  }
0x77: {  	_ =	shalt  }
0x78: {  	_ =	shalt  }
0x79: {  	_ =	shalt  }
0x7a: {  	_ =	shalt  }
0x7b: {  	_ =	shalt  }
0x7c: {  	_ =	shalt  }
0x7d: {  	_ =	shalt  }
0x7e: {  	_ =	shalt  }
0x7f: {  	_ =	shalt  }
0x80: {  	_ =	shalt  }
0x81: {  	_ =	shalt  }
0x82: {  	_ =	shalt  }
0x83: {  	_ =	shalt  }
0x84: {  	_ =	shalt  }
0x85: {  	_ =	shalt  }
0x86: {  	_ =	shalt  }
0x87: {  	_ =	shalt  }
.Lfunc_end0:
.L_simem_size_0:
called_computation_lowered:
.L_overlay_start_0:
0x88: {  	s2 =	sld [smem:$0x3FD9]  }
0x89: {  	s3 =	sld [smem:$0x3FFE];
	_ =	sdelay $0x1  }
0x8a: {  	s1 =	srdreg.scid  }
0x8b: {  	s0 =	sand.u32 $0x1, s1  }
0x8c: {  	s14 =	sshll.u32 s0, $0xA;
	s2 =	sadd.s32 s3, s2  }
0x8d: {  	s2 =	sadd.s32 s2, s14  }
0x8e: {  	[smem:$0x3FC6] =	sst s2  }
0x8f: {  	_ = 	snop  }
0x90: {  	s2 =	sld [smem:$0x3FD0];
	_ =	sdelay $0x2  }
0x91: {  	s15 =	simm.s32 $0xA;
	s4 =	simm.s32 $0x10  }
0x92: {  	[smem:s4], [sflag:s15] =	dma.local [hbm:s2], $0x1  }
0x93: {  	_ =	swait.eq [sflag:s15], $0x1  }
0x94: {  	[sflag:s15] =	ssyncset.done $0x0  }
0x95: {  	[sflag:s15] =	ssyncadd.s32 $0xFFFFFFFF  }
0x96: {  	s16 =	sld [smem:$0x13];
	(tm) =	ssettm $0x1  }
0x97: {  	s17 =	sld [smem:$0x3FFB];
	_ =	sdelay $0x3  }
0x98: {  	_ =	strace s17  }
0x99: {  	s3 =	sld [smem:$0x3FFC];
	_ =	sdelay $0x3  }
0x9a: {  	_ =	strace s3  }
0x9b: {  	s3 =	sld [smem:$0x3FFD];
	_ =	sdelay $0x3  }
0x9c: {  	_ =	strace s3  }
0x9d: {  	_ =	strace $0x8FFFFFFF  }
0x9e: {  	s18 =	sld [smem:$0x3FDB];
	_ =	sdelay $0x1  }
0x9f: {  	s19 =	simm.s32 $_scs_section_size  }
0xa0: {  	s5 =	simm.s32 $_size__tile_overlayer_lowered;
	s6 =	simm.s32 $_tile_overlayer_lowered  }
0xa1: {  	s22 =	simm.s32 $0x1BFF;
	s21 =	sshll.u32 s6, $0x1;
	s3 =	sadd.s32 s19, s18  }
0xa2: {  	s7 =	simm.s32 $0x0;
	s20 =	sshll.u32 s5, $0x1;
	s5 =	sadd.s32 s21, s3  }
0xa3: {  	[timem:s7], [sflag:s22] =	dma.local [hbm:s5], s20  }
0xa4: {  	_ =	swait.ge [sflag:s22], s20  }
0xa5: {  	s4 =	ssub.s32 $0x0, s20;
	[sflag:s22] =	ssyncset.done $0x0  }
0xa6: {  	[sflag:s22] =	ssyncadd.s32 s4;
	_ =	sdelay $0x1  }
0xa7: {  	s23 =	simm.s32 $0x1B8B  }
0xa8: {  	_ =	swait.ge [sflag:s23], $0x1  }
0xa9: {  	[sflag:s23] =	ssyncset.done $0x0  }
0xaa: {  	s25 =	simm.s32 $0x1B8E;
	s24 =	sld [smem:$0x3FFE];
	[sflag:s23] =	ssyncadd.s32 $0xFFFFFFFF  }
0xab: {  	s26 =	simm.s32 $execute0_lowered;
	[smem:$0x3FD2] =	sst s25  }
0xac: {  	s5 =	sshll.u32 s26, $0x1;
	_ =	strace $0x80000046;
	[dreg:$0x1] =	wrdreg $0xFFFFFFFF  }
0xad: {  	s28 =	simm.s32 $_size_execute0_lowered;
	s3 =	sadd.s32 s3, s5;
	[dreg:$0x0] =	wrdreg $0x0  }
0xae: {  	s5 =	sshll.u32 s28, $0x1;
	[dreg:$0x2] =	wrdreg s3  }
0xaf: {  	[dreg:$0x3] =	wrdreg s5  }
0xb0: {  	[dreg:$0x4] =	wrdreg $0xC0  }
0xb1: {  	_ =	task [dreg:s7], $0x5FFFF  }
0xb2: {  	[dreg:$0x1] =	wrdreg $0xFFFFFFFF  }
0xb3: {  	[dreg:$0x0] =	wrdreg $0x60  }
0xb4: {  	[dreg:$0x2] =	wrdreg s24  }
0xb5: {  	[dreg:$0x3] =	wrdreg s16  }
0xb6: {  	[dreg:$0x4] =	wrdreg $0x9  }
0xb7: {  	_ =	task.clear_ibuf [dreg:s7], $0x5FFFF;
	_ =	strace $0x90000046  }
0xb8: {  	s29 =	simm.s32 $0x9;
	_ =	strace $0x80000048  }
0xb9: {  	_ =	swait.ge [sflag:s29], $0x1  }
0xba: {  	[sflag:s29] =	ssyncadd.s32 $0xFFFFFFFF  }
0xbb: {  	_ =	strace $0x90000048  }
0xbc: {  	_ =	sfence  }
0xbd: {  	s30 =	sld [smem:$0x0];
	_ =	sdelay $0x2  }
0xbe: {  	s31 =	sshll.u32 s1, $0xD;
	s1 =	sshrl.u32 s1, $0x2  }
0xbf: {  	s3 =	sand.u32 $0x4000, s31;
	s1 =	sadd.s32 s1, s30  }
0xc0: {  	s0 =	sor.u32 s3, s0;
	s1 =	sshll.u32 s1, $0x11  }
0xc1: {  	s0 =	sor.u32 s1, s0  }
0xc2: {  	s0 =	sadd.s32 $0x8F2B, s0  }
0xc3: {  	[sflag:s0] =	ssyncadd.remote.s32 $0x1  }
0xc4: {  	_ =	sfence.sel $0xFFFF  }
0xc5: {  	[dreg:$0x0] =	wrdreg $0xFFFFFFFF;
	(pc) =	sbr.abs _section_cstart, $3  }
0xc6: {  	[dreg:$0x1] =	wrdreg $0xFFFFFFFF  }
0xc7: {  	_ =	task.clear_ibuf [dreg:s7], $0x2FFFF;
	_ =	strace $0x9FFFFFFF  }
0xc8: {  	(tm) =	ssettm $0x7FFFFFFF  }
0xc9: {  	_ =	shalt  }
tec
execute0_lowered:
.L_overlay_start_1:
0x0: {  	(tag) =	ssettag $0x1  }
0x1: {  	s3 =	rddreg [dreg:$0x0]  }
0x2: {  	s5 =	rddreg [dreg:$0x1]  }
0x3: {  	s2 =	srdreg.scid;
	s1 =	stileid.u32  }
0x4: {  	s0 =	rddreg [dreg:$0x2];
	s9 =	simm.s32 $0x2000;
	s10 =	simm.s32 $0x0  }
0x5: {  	s4 =	sand.u32 $0x1, s2;
	s6 =	sshll.u32 s1, $0x1;
	s2 =	simm.s32 $0x0  }
0x6: {  	s6 =	sor.u32 s4, s6;
	s4 =	ssub.s32 $0x2, s4;
	[smem:$0x7FF] =	sst s2  }
0x7: {  	s7 =	sshll.u32 s6, $0xA;
	s8 =	sshrl.u32 s4, $0x1;
	_ =	strace $0x80000047  }
0x8: {  	s6 =	sshll.u32 s6, $0x4;
	s7 =	sadd.s32 s7, s3;
	s8 =	ssub.s32 s4, s8  }
0x9: {  	s5 =	sadd.s32 s5, s6;
	s3 =	sadd.s32 $0xC00, s7;
	s4 =	sadd.s32 $0x8C00, s7  }
0xa: {  	v0 =	vimm.s32 $0x0;
	s6 =	smax.u32 s8, $0x1;
	s7 =	simm.s32 $0x1;
	s8 =	simm.s32 $0x4000  }
.LBB2_1:
0xb: {  	[tilespmem:s2], [sflag:$0x1] =	stream.linear.gather [hbm4b:s3+s2], $0x2000, $0x38;
	[tilespmem:$0x4080] =	vst v63  }
0xc: {  	_ =	swait.ge [sflag:s7], $0x2000  }
0xd: {  	[sflag:s7] =	ssyncset.done $0x0  }
0xe: {  	[sflag:s7] =	ssyncadd.s32 $0xFFFFE000  }
0xf: {  	[tilespmem:$0x4000] =	vst v0  }
0x10: {  	[tilespmem:$0x4010] =	vst v0  }
0x11: {  	[tilespmem:$0x4020] =	vst v0  }
0x12: {  	s11 =	simm.s32 $0x0;
	s12 =	simm.s32 $0x200;
	[tilespmem:$0x4030] =	vst v0  }
.LBB2_2:
0x13: {  	p0 =	sne.s32 s12, $0x7E00;
	v1 =	vld [tilespmem:s11+$0x0];
	_ =	sdelay $0x4  }
0x14: {  	(xrf1) =	vunique.msk.u32 $0xffff, v1;
	_ =	sdelay $0x2  }
0x15: {  	v2 =	vld.idx.msk [tilespmem:v1+s8+$0x0], $0xffff;
	_ =	sdelay $0xa  }
0x16: {  	_, v3, vm0 =	vpop (xrf1);
	_ =	sdelay $0x1  }
.Ltmp0:
0x17: {  	(pc) =	sbr.rel @p0 .LBB2_2-.Ltmp0, $4  }
0x18: {  	v2 =	vadd.s32 v2, v3  }
0x19: {  	v3 =	vadd.s32 $0xFFFFFFFF, v2  }
0x1a: {  	[tilespmem:s11+$0x2000] =	vst v3  }
0x1b: {  	s11 =	sshra.s32 s12, $0x2;
	s12 =	sadd.s32 $0x200, s12;
	[tilespmem:v1+s8+$0x0] =	vst.idx.msk vm0, v2  }
0x1c: {  	v1 =	vld [tilespmem:s11+$0x0];
	_ =	sdelay $0x4  }
0x1d: {  	(xrf1) =	vunique.msk.u32 $0xffff, v1;
	_ =	sdelay $0xb  }
0x1e: {  	v2 =	vld.idx.msk [tilespmem:v1+s8+$0x0], $0xffff;
	_ =	sdelay $0x1  }
0x1f: {  	_, v3, vm0 =	vpop (xrf1);
	_ =	sdelay $0x2  }
0x20: {  	v2 =	vadd.s32 v2, v3  }
0x21: {  	v3 =	vadd.s32 $0xFFFFFFFF, v2  }
0x22: {  	[tilespmem:s11+$0x2000] =	vst v3  }
0x23: {  	[tilespmem:v1+s8+$0x0] =	vst.idx.msk vm0, v2  }
0x24: {  	[hbm4b:s4+s2] =	stream.linear.scatter [tilespmem:s9], [sflag:$0x1], $0x2000, $0x38;
	[tilespmem:$0x4080] =	vst v63  }
0x25: {  	s10 =	sadd.s32 $0x1, s10;
	_ =	swait.ge [sflag:s7], $0x2000  }
0x26: {  	p0 =	sne.s32 s10, s6;
	[sflag:s7] =	ssyncset.done $0x0  }
.Ltmp1:
0x27: {  	[sflag:s7] =	ssyncadd.s32 $0xFFFFE000;
	(pc) =	sbr.rel @p0 .LBB2_1-.Ltmp1, $4  }
0x28: {  	[hbm4b:s5+s2] =	stream.linear.scatter [tilespmem:s8], [sflag:$0x1], $0x80, $0x38;
	[tilespmem:$0x4080] =	vst v63  }
0x29: {  	_ =	swait.ge [sflag:s7], $0x80  }
0x2a: {  	[sflag:s7] =	ssyncset.done $0x0  }
0x2b: {  	[sflag:s7] =	ssyncadd.s32 $0xFFFFFF80  }
0x2c: {  	_ =	sfence.sel $0x180000  }
0x2d: {  	[bflag:$0x0] =	sbarrier.arrive $0xFFFF  }
0x2e: {  	p0 =	sne.s32 s1, $0x0;
	_ =	strace $0x90000047  }
0x2f: {  	s0 =	sadd.s32 @!p0 $0x100000, s0;
	[bflag:$0x2] =	sbarrier.arrive $0xFFFF  }
0x30: {  	[sflag:s0] =	ssyncadd.tile.s32 @!p0 $0x1;
	_ =	shalt  }
.Lfunc_end2:
_tile_overlayer_lowered:
.L_overlay_start_2:
0x31: {  	(tag) =	ssettag $0x2  }
0x32: {  	s0 =	rddreg [dreg:$0x0];
	s2 =	stileid.u32  }
0x33: {  	s1 =	rddreg [dreg:$0x1];
	p0 =	sne.s32 s2, $0x0  }
0x34: {  	s3 =	rddreg [dreg:$0x2];
	[bflag:$0x3] =	sbarrier.arrive $0xFFFF;
	s2 =	simm.s32 @!p0 $0x1C01  }
0x35: {  	[timem:s3], [sflag:s2] =	dma.local @!p0 [hbm:s0], s1  }
0x36: {  	s0 =	simm.s32 @!p0 $0x1  }
0x37: {  	_ =	swait.ge @!p0 [sflag:s0], s1  }
0x38: {  	s1 =	ssub.s32 @!p0 $0x0, s1;
	[sflag:s0] =	ssyncset.done @!p0 $0x0  }
0x39: {  	[sflag:s0] =	ssyncadd.s32 @!p0 s1  }
0x3a: {  	[bflag:$0x3] =	sbarrier.arrive $0xFFFF  }
0x3b: {  	_ =	shalt  }

// kernel: kernel.8.cloned.1.call-start
scs
__scs_entry_jumppad:
0x0: {  	(pc) =	sbr.rel $0x88, $3  }
0x1: {  	(tag) =	ssettag $0x0;
	lr =	simm.s32 $0x1  }
0x2: {  	[smem:$0x3F9F] =	sst lr;
	_ =	strace $0xD0000000  }
0x3: {  	_ = 	snop  }
0x4: {  	_ = 	snop  }
0x5: {  	_ = 	snop  }
0x6: {  	_ = 	snop  }
0x7: {  	_ = 	snop  }
__scs_overlays_trampoline_lowered:
0x8: {  	[smem:$0x3FAE] =	sst s0  }
0x9: {  	[smem:$0x3FAF] =	sst s1  }
0xa: {  	[smem:$0x3FB0] =	sst s2  }
0xb: {  	[smem:$0x3FB1] =	sst s3  }
0xc: {  	[smem:$0x3FB2] =	sst s4  }
0xd: {  	[smem:$0x3FB3] =	sst s5  }
0xe: {  	[smem:$0x3FB4] =	sst s6  }
0xf: {  	[smem:$0x3FB5] =	sst s7  }
0x10: {  	[smem:$0x3FB6] =	sst s8  }
0x11: {  	[smem:$0x3FB7] =	sst s9;
	s0 =	simm.s32 @!p0 $0x0  }
0x12: {  	s1 =	sld [smem:$0x3F9D];
	s0 =	simm.s32 @p0 $0x1  }
0x13: {  	[smem:$0x3FB8] =	sst s0;
	s0 =	simm.s32 @!p1 $0x0  }
0x14: {  	s2 =	sld [smem:$0x3F9C];
	s0 =	simm.s32 @p1 $0x1  }
0x15: {  	[smem:$0x3FB9] =	sst s0;
	s0 =	simm.s32 @!p2 $0x0  }
0x16: {  	s3 =	sld [smem:$0x3FDB];
	s0 =	simm.s32 @p2 $0x1  }
0x17: {  	s4 =	simm.s32 $0x1BF5;
	[smem:$0x3FBB] =	sst s0  }
0x18: {  	s0 =	sld [smem:$0x3F9E];
	_ =	swait.ge [sflag:s4], $0x0  }
0x19: {  	s7 =	sld [smem:$0x3F9F]  }
0x1a: {  	s8 =	sadd.s32 $0xFFFFE003, lr  }
0x1b: {  	s9 =	sadd.s32 $0xFFFFFEF7, lr;
	s5 =	simm.s32 $0xFFFFFFFF;
	p2 =	slt.u32 s8, $0xFFFFF086  }
0x1c: {  	p1 =	slt.u32 s9, $0xF7A;
	s5 =	simm.s32 @!p2 $0x0  }
0x1d: {  	s5 =	simm.s32 @p1 $0x1;
	p0 =	seq.s32 s7, s2  }
0x1e: {  	s7 =	smul.u32 @!p0 $0xF7A, s2;
	p2 =	seq.s32 @!p0 s5, $0x0  }
0x1f: {  	s9 =	smul.u32 $0xF7A, s1;
	s8 =	simm.s32 @!p0 $0x1BF5;
	p2 =	por !p2, p0  }
0x20: {  	[sflag:s8] =	ssyncset.s32 @!p0 $0xFFFFF086;
	s6 =	sadd.s32 @!p0 s3, s7;
	s7 =	simm.s32 @!p0 $0x108  }
0x21: {  	s3 =	sadd.s32 s3, s9;
	s6 =	sadd.s32 @!p0 $0x88, s6;
	s7 =	simm.s32 @p2 $0x1082  }
0x22: {  	[simem:s7], [sflag:s8] =	dma.local @!p0 [hbm:s6], $0xF7A  }
0x23: {  	s9 =	sor.u32 $0xD0000000, s2;
	s6 =	simm.s32 $0x108;
	_ =	swait.ge @!p0 [sflag:s8], $0x0  }
0x24: {  	s3 =	sadd.s32 $0x88, s3;
	s6 =	simm.s32 @!p1 $0x1082;
	[sflag:s4] =	ssyncset.s32 $0xFFFFF086  }
0x25: {  	[simem:s6], [sflag:s4] =	dma.local [hbm:s3], $0xF7A  }
0x26: {  	[smem:$0x3F9F] =	sst s1;
	(tag) =	ssettag s2;
	_ =	strace s9  }
0x27: {  	s1 =	sld [smem:$0x3FAF]  }
0x28: {  	s2 =	sld [smem:$0x3FB0]  }
0x29: {  	s4 =	sld [smem:$0x3FB2]  }
0x2a: {  	p0 =	seq.s32 s5, $0x0;
	s5 =	sld [smem:$0x3FB3]  }
0x2b: {  	s6 =	sld [smem:$0x3FB4]  }
0x2c: {  	s7 =	sld [smem:$0x3FB5]  }
0x2d: {  	s3 =	simm.s32 $0x108;
	s8 =	sld [smem:$0x3FB6]  }
0x2e: {  	s3 =	simm.s32 @!p0 $0x1082;
	s9 =	sld [smem:$0x3FB7]  }
0x2f: {  	lr =	sadd.s32 s0, s3;
	s0 =	sld [smem:$0x3FAE]  }
0x30: {  	s3 =	sld [smem:$0x3FB1]  }
0x31: {  	[smem:$0x3FBA] =	sst s10  }
0x32: {  	s10 =	sld [smem:$0x3FB8];
	_ =	sdelay $0x3  }
0x33: {  	p0 =	seq.s32 s10, $0x1;
	s10 =	sld [smem:$0x3FBA];
	_ =	sdelay $0x3  }
0x34: {  	[smem:$0x3FBA] =	sst s10  }
0x35: {  	s10 =	sld [smem:$0x3FB9];
	_ =	sdelay $0x3  }
0x36: {  	p1 =	seq.s32 s10, $0x1;
	s10 =	sld [smem:$0x3FBA];
	_ =	sdelay $0x3  }
0x37: {  	[smem:$0x3FBA] =	sst s10  }
0x38: {  	s10 =	sld [smem:$0x3FBB]  }
0x39: {  	_ = 	snop;
	(pc) =	sbr.ind lr, $3  }
0x3a: {  	_ = 	snop  }
0x3b: {  	_ = 	snop  }
0x3c: {  	p2 =	seq.s32 s10, $0x1;
	s10 =	sld [smem:$0x3FBA]  }
0x3d: {  	_ =	shalt  }
0x3e: {  	_ =	shalt  }
0x3f: {  	_ =	shalt  }
0x40: {  	_ =	shalt  }
0x41: {  	_ =	shalt  }
0x42: {  	_ =	shalt  }
0x43: {  	_ =	shalt  }
0x44: {  	_ =	shalt  }
0x45: {  	_ =	shalt  }
0x46: {  	_ =	shalt  }
0x47: {  	_ =	shalt  }
0x48: {  	_ =	shalt  }
0x49: {  	_ =	shalt  }
0x4a: {  	_ =	shalt  }
0x4b: {  	_ =	shalt  }
0x4c: {  	_ =	shalt  }
0x4d: {  	_ =	shalt  }
0x4e: {  	_ =	shalt  }
0x4f: {  	_ =	shalt  }
0x50: {  	_ =	shalt  }
0x51: {  	_ =	shalt  }
0x52: {  	_ =	shalt  }
0x53: {  	_ =	shalt  }
0x54: {  	_ =	shalt  }
0x55: {  	_ =	shalt  }
0x56: {  	_ =	shalt  }
0x57: {  	_ =	shalt  }
0x58: {  	_ =	shalt  }
0x59: {  	_ =	shalt  }
0x5a: {  	_ =	shalt  }
0x5b: {  	_ =	shalt  }
0x5c: {  	_ =	shalt  }
0x5d: {  	_ =	shalt  }
0x5e: {  	_ =	shalt  }
0x5f: {  	_ =	shalt  }
0x60: {  	_ =	shalt  }
0x61: {  	_ =	shalt  }
0x62: {  	_ =	shalt  }
0x63: {  	_ =	shalt  }
0x64: {  	_ =	shalt  }
0x65: {  	_ =	shalt  }
0x66: {  	_ =	shalt  }
0x67: {  	_ =	shalt  }
0x68: {  	_ =	shalt  }
0x69: {  	_ =	shalt  }
0x6a: {  	_ =	shalt  }
0x6b: {  	_ =	shalt  }
0x6c: {  	_ =	shalt  }
0x6d: {  	_ =	shalt  }
0x6e: {  	_ =	shalt  }
0x6f: {  	_ =	shalt  }
0x70: {  	_ =	shalt  }
0x71: {  	_ =	shalt  }
0x72: {  	_ =	shalt  }
0x73: {  	_ =	shalt  }
0x74: {  	_ =	shalt  }
0x75: {  	_ =	shalt  }
0x76: {  	_ =	shalt  }
0x77: {  	_ =	shalt  }
0x78: {  	_ =	shalt  }
0x79: {  	_ =	shalt  }
0x7a: {  	_ =	shalt  }
0x7b: {  	_ =	shalt  }
0x7c: {  	_ =	shalt  }
0x7d: {  	_ =	shalt  }
0x7e: {  	_ =	shalt  }
0x7f: {  	_ =	shalt  }
0x80: {  	_ =	shalt  }
0x81: {  	_ =	shalt  }
0x82: {  	_ =	shalt  }
0x83: {  	_ =	shalt  }
0x84: {  	_ =	shalt  }
0x85: {  	_ =	shalt  }
0x86: {  	_ =	shalt  }
0x87: {  	_ =	shalt  }
.Lfunc_end0:
.L_simem_size_0:
called_computation.1_lowered:
.L_overlay_start_0:
0x88: {  	s2 =	sld [smem:$0x3FD9]  }
0x89: {  	s3 =	sld [smem:$0x3FFE];
	_ =	sdelay $0x1  }
0x8a: {  	s1 =	srdreg.scid  }
0x8b: {  	s0 =	sand.u32 $0x1, s1  }
0x8c: {  	s14 =	sshll.u32 s0, $0xA;
	s2 =	sadd.s32 s3, s2  }
0x8d: {  	s2 =	sadd.s32 s2, s14  }
0x8e: {  	[smem:$0x3FC6] =	sst s2  }
0x8f: {  	_ = 	snop  }
0x90: {  	s2 =	sld [smem:$0x3FD0];
	_ =	sdelay $0x2  }
0x91: {  	s15 =	simm.s32 $0xA;
	s4 =	simm.s32 $0x10  }
0x92: {  	[smem:s4], [sflag:s15] =	dma.local [hbm:s2], $0x1  }
0x93: {  	_ =	swait.eq [sflag:s15], $0x1  }
0x94: {  	[sflag:s15] =	ssyncset.done $0x0  }
0x95: {  	[sflag:s15] =	ssyncadd.s32 $0xFFFFFFFF  }
0x96: {  	s16 =	sld [smem:$0x13];
	(tm) =	ssettm $0x1  }
0x97: {  	s17 =	sld [smem:$0x3FFB];
	_ =	sdelay $0x3  }
0x98: {  	_ =	strace s17  }
0x99: {  	s3 =	sld [smem:$0x3FFC];
	_ =	sdelay $0x3  }
0x9a: {  	_ =	strace s3  }
0x9b: {  	s3 =	sld [smem:$0x3FFD];
	_ =	sdelay $0x3  }
0x9c: {  	_ =	strace s3  }
0x9d: {  	_ =	strace $0x8FFFFFFF  }
0x9e: {  	s18 =	sld [smem:$0x3FDB];
	_ =	sdelay $0x1  }
0x9f: {  	s19 =	simm.s32 $_scs_section_size  }
0xa0: {  	s5 =	simm.s32 $_size__tile_overlayer_lowered;
	s6 =	simm.s32 $_tile_overlayer_lowered  }
0xa1: {  	s22 =	simm.s32 $0x1BFF;
	s21 =	sshll.u32 s6, $0x1;
	s3 =	sadd.s32 s19, s18  }
0xa2: {  	s7 =	simm.s32 $0x0;
	s20 =	sshll.u32 s5, $0x1;
	s5 =	sadd.s32 s21, s3  }
0xa3: {  	[timem:s7], [sflag:s22] =	dma.local [hbm:s5], s20  }
0xa4: {  	_ =	swait.ge [sflag:s22], s20  }
0xa5: {  	s4 =	ssub.s32 $0x0, s20;
	[sflag:s22] =	ssyncset.done $0x0  }
0xa6: {  	[sflag:s22] =	ssyncadd.s32 s4;
	_ =	sdelay $0x1  }
0xa7: {  	s23 =	simm.s32 $0x1B8B  }
0xa8: {  	_ =	swait.ge [sflag:s23], $0x1  }
0xa9: {  	[sflag:s23] =	ssyncset.done $0x0  }
0xaa: {  	s25 =	simm.s32 $0x1B8E;
	s24 =	sld [smem:$0x3FFE];
	[sflag:s23] =	ssyncadd.s32 $0xFFFFFFFF  }
0xab: {  	s26 =	simm.s32 $execute0_lowered;
	[smem:$0x3FD2] =	sst s25  }
0xac: {  	s5 =	sshll.u32 s26, $0x1;
	_ =	strace $0x80000049;
	[dreg:$0x1] =	wrdreg $0xFFFFFFFF  }
0xad: {  	s28 =	simm.s32 $_size_execute0_lowered;
	s3 =	sadd.s32 s3, s5;
	[dreg:$0x0] =	wrdreg $0x0  }
0xae: {  	s5 =	sshll.u32 s28, $0x1;
	[dreg:$0x2] =	wrdreg s3  }
0xaf: {  	[dreg:$0x3] =	wrdreg s5  }
0xb0: {  	[dreg:$0x4] =	wrdreg $0xC0  }
0xb1: {  	_ =	task [dreg:s7], $0x5FFFF  }
0xb2: {  	[dreg:$0x1] =	wrdreg $0xFFFFFFFF  }
0xb3: {  	[dreg:$0x0] =	wrdreg $0x60  }
0xb4: {  	[dreg:$0x2] =	wrdreg s24  }
0xb5: {  	[dreg:$0x3] =	wrdreg s16  }
0xb6: {  	[dreg:$0x4] =	wrdreg $0x9  }
0xb7: {  	_ =	task.clear_ibuf [dreg:s7], $0x5FFFF;
	_ =	strace $0x90000049  }
0xb8: {  	s29 =	simm.s32 $0x9;
	_ =	strace $0x8000004B  }
0xb9: {  	_ =	swait.ge [sflag:s29], $0x1  }
0xba: {  	[sflag:s29] =	ssyncadd.s32 $0xFFFFFFFF  }
0xbb: {  	_ =	strace $0x9000004B  }
0xbc: {  	_ =	sfence  }
0xbd: {  	s30 =	sld [smem:$0x0];
	_ =	sdelay $0x2  }
0xbe: {  	s31 =	sshll.u32 s1, $0xD;
	s1 =	sshrl.u32 s1, $0x2  }
0xbf: {  	s3 =	sand.u32 $0x4000, s31;
	s1 =	sadd.s32 s1, s30  }
0xc0: {  	s0 =	sor.u32 s3, s0;
	s1 =	sshll.u32 s1, $0x11  }
0xc1: {  	s0 =	sor.u32 s1, s0  }
0xc2: {  	s0 =	sadd.s32 $0x8F2B, s0  }
0xc3: {  	[sflag:s0] =	ssyncadd.remote.s32 $0x1  }
0xc4: {  	_ =	sfence.sel $0xFFFF  }
0xc5: {  	[dreg:$0x0] =	wrdreg $0xFFFFFFFF;
	(pc) =	sbr.abs _section_cstart, $3  }
0xc6: {  	[dreg:$0x1] =	wrdreg $0xFFFFFFFF  }
0xc7: {  	_ =	task.clear_ibuf [dreg:s7], $0x2FFFF;
	_ =	strace $0x9FFFFFFF  }
0xc8: {  	(tm) =	ssettm $0x7FFFFFFF  }
0xc9: {  	_ =	shalt  }
tec
execute0_lowered:
.L_overlay_start_1:
0x0: {  	(tag) =	ssettag $0x1  }
0x1: {  	s1 =	srdreg.scid;
	s0 =	stileid.u32  }
0x2: {  	v1 =	vimm.s32 $0x0;
	v34 =	vimm.s32 $0x0;
	v35 =	vimm.s32 $0x0;
	s4 =	sand.u32 $0x1, s1;
	s31 =	sshll.u32 s0, $0x1  }
0x3: {  	v36 =	vimm.s32 $0x0;
	v37 =	vimm.s32 $0x0;
	v38 =	vimm.s32 $0x0;
	s5 =	sor.u32 s4, s31  }
0x4: {  	v39 =	vimm.s32 $0x0;
	v40 =	vimm.s32 $0x0;
	v0 =	vmov s5  }
0x5: {  	v41 =	vimm.s32 $0x0;
	v42 =	vimm.s32 $0x0;
	vm0 =	veq.s32 v0, $0x1F  }
0x6: {  	v43 =	vimm.s32 $0x0;
	vm10 =	vgt.u32 v0, $0x1D;
	v1 =	vsel vm0, $0xFFFFFFFF, v1  }
0x7: {  	v44 =	vimm.s32 $0x0;
	vm11 =	vgt.u32 v0, $0x1C;
	[tilespmem:$0x1FE10] =	vst v1;
	v1 =	vsel vm10, $0xFFFFFFFF, v34  }
0x8: {  	v45 =	vimm.s32 $0x0;
	vm12 =	vgt.u32 v0, $0x1B;
	[tilespmem:$0x1FE20] =	vst v1;
	v1 =	vsel vm11, $0xFFFFFFFF, v35  }
0x9: {  	v46 =	vimm.s32 $0x0;
	vm13 =	vgt.u32 v0, $0x1A;
	[tilespmem:$0x1FE30] =	vst v1;
	v1 =	vsel vm12, $0xFFFFFFFF, v36  }
0xa: {  	v47 =	vimm.s32 $0x0;
	vm14 =	vgt.u32 v0, $0x19;
	[tilespmem:$0x1FE40] =	vst v1;
	v1 =	vsel vm13, $0xFFFFFFFF, v37  }
0xb: {  	v48 =	vimm.s32 $0x0;
	vm15 =	vgt.u32 v0, $0x18;
	[tilespmem:$0x1FE50] =	vst v1;
	v1 =	vsel vm14, $0xFFFFFFFF, v38  }
0xc: {  	v49 =	vimm.s32 $0x0;
	vm4 =	vgt.u32 v0, $0x17;
	[tilespmem:$0x1FE60] =	vst v1;
	v1 =	vsel vm15, $0xFFFFFFFF, v39  }
0xd: {  	v50 =	vimm.s32 $0x0;
	vm5 =	vgt.u32 v0, $0x16;
	[tilespmem:$0x1FE70] =	vst v1;
	v1 =	vsel vm4, $0xFFFFFFFF, v40  }
0xe: {  	v51 =	vimm.s32 $0x0;
	vm6 =	vgt.u32 v0, $0x15;
	[tilespmem:$0x1FE80] =	vst v1;
	v1 =	vsel vm5, $0xFFFFFFFF, v41  }
0xf: {  	v52 =	vimm.s32 $0x0;
	vm7 =	vgt.u32 v0, $0x14;
	[tilespmem:$0x1FE90] =	vst v1;
	v1 =	vsel vm6, $0xFFFFFFFF, v42  }
0x10: {  	v53 =	vimm.s32 $0x0;
	vm8 =	vgt.u32 v0, $0x13;
	[tilespmem:$0x1FEA0] =	vst v1;
	v1 =	vsel vm7, $0xFFFFFFFF, v43  }
0x11: {  	v63 =	vimm.s32 $0x0;
	vm9 =	vgt.u32 v0, $0x12;
	[tilespmem:$0x1FEB0] =	vst v1;
	v1 =	vsel vm8, $0xFFFFFFFF, v44  }
0x12: {  	vm10 =	vgt.u32 v0, $0x11;
	vm11 =	vgt.u32 v0, $0x10;
	[tilespmem:$0x1FEC0] =	vst v1;
	v1 =	vsel vm9, $0xFFFFFFFF, v45  }
0x13: {  	vm12 =	vgt.u32 v0, $0xF;
	vm13 =	vgt.u32 v0, $0xE;
	[tilespmem:$0x1FED0] =	vst v1;
	v1 =	vsel vm10, $0xFFFFFFFF, v46  }
0x14: {  	vm14 =	vgt.u32 v0, $0xD;
	vm15 =	vgt.u32 v0, $0xC;
	[tilespmem:$0x1FEE0] =	vst v1;
	v1 =	vsel vm11, $0xFFFFFFFF, v47  }
0x15: {  	vm4 =	vgt.u32 v0, $0xB;
	vm5 =	vgt.u32 v0, $0xA;
	[tilespmem:$0x1FEF0] =	vst v1;
	v1 =	vsel vm12, $0xFFFFFFFF, v48  }
0x16: {  	vm6 =	vgt.u32 v0, $0x9;
	vm7 =	vgt.u32 v0, $0x8;
	[tilespmem:$0x1FF00] =	vst v1;
	v1 =	vsel vm13, $0xFFFFFFFF, v49  }
0x17: {  	s6 =	rddreg [dreg:$0x0];
	vm8 =	vgt.u32 v0, $0x7;
	vm9 =	vgt.u32 v0, $0x6;
	[tilespmem:$0x1FF10] =	vst v1;
	v1 =	vsel vm14, $0xFFFFFFFF, v50  }
0x18: {  	s2 =	rddreg [dreg:$0x1];
	s3 =	simm.s32 $0x0;
	vm10 =	vgt.u32 v0, $0x5;
	vm11 =	vgt.u32 v0, $0x4;
	[tilespmem:$0x1FF20] =	vst v1;
	v1 =	vsel vm15, $0xFFFFFFFF, v51  }
0x19: {  	[smem:$0x7FF] =	sst s3;
	vm12 =	vgt.u32 v0, $0x3;
	vm15 =	veq.s32 v0, $0x0;
	[tilespmem:$0x1FF30] =	vst v1;
	v1 =	vsel vm4, $0xFFFFFFFF, v52  }
0x1a: {  	s1 =	rddreg [dreg:$0x2];
	vm13 =	vgt.u32 v0, $0x2;
	vm14 =	vgt.u32 v0, $0x1;
	v0 =	vsel vm15, $0xFFFFFFFF, v63;
	_ =	strace $0x8000004A;
	[tilespmem:$0x1FF40] =	vst v1  }
0x1b: {  	v54 =	vimm.s32 $0x0;
	v1 =	vsel vm5, $0xFFFFFFFF, v53;
	[tilespmem:$0x1FFF0] =	vst v0  }
0x1c: {  	v55 =	vimm.s32 $0x0;
	[tilespmem:$0x1FF50] =	vst v1;
	v1 =	vsel vm6, $0xFFFFFFFF, v54  }
0x1d: {  	v56 =	vimm.s32 $0x0;
	[tilespmem:$0x1FF60] =	vst v1;
	v1 =	vsel vm7, $0xFFFFFFFF, v55  }
0x1e: {  	v57 =	vimm.s32 $0x0;
	[tilespmem:$0x1FF70] =	vst v1;
	v1 =	vsel vm8, $0xFFFFFFFF, v56  }
0x1f: {  	v58 =	vimm.s32 $0x0;
	[tilespmem:$0x1FF80] =	vst v1;
	v1 =	vsel vm9, $0xFFFFFFFF, v57  }
0x20: {  	v59 =	vimm.s32 $0x0;
	[tilespmem:$0x1FF90] =	vst v1;
	v1 =	vsel vm10, $0xFFFFFFFF, v58  }
0x21: {  	s8 =	simm.s32 $0x1;
	s9 =	simm.s32 $0x2000;
	v60 =	vimm.s32 $0x0;
	[tilespmem:$0x1FFA0] =	vst v1;
	v1 =	vsel vm11, $0xFFFFFFFF, v59  }
0x22: {  	s10 =	simm.s32 $0x4000;
	v61 =	vimm.s32 $0x0;
	s4 =	ssub.s32 $0x2, s4;
	s5 =	sshll.u32 s5, $0xA;
	[tilespmem:$0x1FFB0] =	vst v1;
	v1 =	vsel vm12, $0xFFFFFFFF, v60  }
0x23: {  	s11 =	simm.s32 $0x5000;
	v62 =	vimm.s32 $0x0;
	s7 =	sshrl.u32 s4, $0x1;
	s6 =	sadd.s32 s5, s6;
	[tilespmem:$0x1FFC0] =	vst v1;
	v1 =	vsel vm13, $0xFFFFFFFF, v61  }
0x24: {  	s12 =	simm.s32 $0x0;
	s7 =	ssub.s32 s4, s7;
	s4 =	sadd.s32 $0xC00, s6;
	[tilespmem:$0x1FFD0] =	vst v1;
	v1 =	vsel vm14, $0xFFFFFFFF, v62  }
0x25: {  	s5 =	sadd.s32 $0x8C00, s6;
	s6 =	sadd.s32 $0x10C00, s6;
	s7 =	smax.u32 s7, $0x1;
	[tilespmem:$0x1FFE0] =	vst v1  }
.LBB2_1:
0x26: {  	[tilespmem:s3], [sflag:$0x1] =	stream.linear.gather [hbm4b:s4+s3], $0x2000, $0x38;
	[tilespmem:$0x5080] =	vst v63  }
0x27: {  	_ =	swait.ge [sflag:s8], $0x2000  }
0x28: {  	[sflag:s8] =	ssyncset.done $0x0  }
0x29: {  	[sflag:s8] =	ssyncadd.s32 $0xFFFFE000  }
0x2a: {  	[tilespmem:s9], [sflag:$0x1] =	stream.linear.gather [hbm4b:s5+s3], $0x2000, $0x38;
	[tilespmem:$0x5080] =	vst v63  }
0x2b: {  	_ =	swait.ge [sflag:s8], $0x2000  }
0x2c: {  	[sflag:s8] =	ssyncset.done $0x0  }
0x2d: {  	[sflag:s8] =	ssyncadd.s32 $0xFFFFE000  }
0x2e: {  	[tilespmem:s10], [sflag:$0x1] =	stream.linear.gather [hbm4b:s2+s3], $0x1000, $0x38;
	[tilespmem:$0x5080] =	vst v63  }
0x2f: {  	_ =	swait.ge [sflag:s8], $0x1000  }
0x30: {  	v42 =	vld [tilespmem:$0x1FFF0]  }
0x31: {  	v59 =	vld [tilespmem:$0x1FFE0]  }
0x32: {  	v60 =	vld [tilespmem:$0x1FFD0]  }
0x33: {  	v61 =	vld [tilespmem:$0x1FFC0]  }
0x34: {  	v62 =	vld [tilespmem:$0x1FFB0]  }
0x35: {  	v63 =	vld [tilespmem:$0x1FFA0]  }
0x36: {  	v44 =	vld [tilespmem:$0x1FF90]  }
0x37: {  	v45 =	vld [tilespmem:$0x1FF80]  }
0x38: {  	v46 =	vld [tilespmem:$0x1FF70]  }
0x39: {  	v47 =	vld [tilespmem:$0x1FF60]  }
0x3a: {  	v48 =	vld [tilespmem:$0x1FF50]  }
0x3b: {  	v49 =	vld [tilespmem:$0x1FF40]  }
0x3c: {  	v50 =	vld [tilespmem:$0x1FF30]  }
0x3d: {  	v51 =	vld [tilespmem:$0x1FF20]  }
0x3e: {  	v52 =	vld [tilespmem:$0x1FF10]  }
0x3f: {  	v53 =	vld [tilespmem:$0x1FF00]  }
0x40: {  	v54 =	vld [tilespmem:$0x1FEF0]  }
0x41: {  	v55 =	vld [tilespmem:$0x1FEE0]  }
0x42: {  	[sflag:s8] =	ssyncset.done $0x0;
	v56 =	vld [tilespmem:$0x1FED0]  }
0x43: {  	v58 =	vld [tilespmem:$0x1FEC0];
	[sflag:s8] =	ssyncadd.s32 $0xFFFFF000  }
0x44: {  	v3 =	vld [tilespmem:$0x4000]  }
0x45: {  	v5 =	vld [tilespmem:$0x4080]  }
0x46: {  	v7 =	vld [tilespmem:$0x4100]  }
0x47: {  	v8 =	vld [tilespmem:$0x4180]  }
0x48: {  	v9 =	vld [tilespmem:$0x4200]  }
0x49: {  	v10 =	vld [tilespmem:$0x4280]  }
0x4a: {  	v11 =	vld [tilespmem:$0x4300]  }
0x4b: {  	v12 =	vld [tilespmem:$0x4380]  }
0x4c: {  	v13 =	vld [tilespmem:$0x4400]  }
0x4d: {  	v14 =	vld [tilespmem:$0x4480]  }
0x4e: {  	v15 =	vld [tilespmem:$0x4500]  }
0x4f: {  	v16 =	vld [tilespmem:$0x4580]  }
0x50: {  	v17 =	vld [tilespmem:$0x4600]  }
0x51: {  	v18 =	vld [tilespmem:$0x4680]  }
0x52: {  	v19 =	vld [tilespmem:$0x4700]  }
0x53: {  	v20 =	vld [tilespmem:$0x4780]  }
0x54: {  	v21 =	vld [tilespmem:$0x4800]  }
0x55: {  	v22 =	vld [tilespmem:$0x4880]  }
0x56: {  	v23 =	vld [tilespmem:$0x4900]  }
0x57: {  	v24 =	vld [tilespmem:$0x4980]  }
0x58: {  	v25 =	vld [tilespmem:$0x4A00]  }
0x59: {  	v26 =	vld [tilespmem:$0x4A80]  }
0x5a: {  	v27 =	vld [tilespmem:$0x4B00]  }
0x5b: {  	v28 =	vld [tilespmem:$0x4B80]  }
0x5c: {  	v29 =	vld [tilespmem:$0x4C00]  }
0x5d: {  	v30 =	vld [tilespmem:$0x4C80]  }
0x5e: {  	v6 =	vld [tilespmem:$0x4D00]  }
0x5f: {  	v4 =	vld [tilespmem:$0x4D80]  }
0x60: {  	v2 =	vld [tilespmem:$0x4E00]  }
0x61: {  	v1 =	vld [tilespmem:$0x4E80]  }
0x62: {  	v0 =	vld [tilespmem:$0x4F00]  }
0x63: {  	v31 =	vld [tilespmem:$0x4010]  }
0x64: {  	v32 =	vld [tilespmem:$0x4090]  }
0x65: {  	v33 =	vld [tilespmem:$0x4110]  }
0x66: {  	v34 =	vld [tilespmem:$0x4190]  }
0x67: {  	v35 =	vld [tilespmem:$0x4210]  }
0x68: {  	v36 =	vld [tilespmem:$0x4290]  }
0x69: {  	v37 =	vld [tilespmem:$0x4310]  }
0x6a: {  	v38 =	vld [tilespmem:$0x4390]  }
0x6b: {  	v39 =	vld [tilespmem:$0x4410]  }
0x6c: {  	v40 =	vld [tilespmem:$0x4490]  }
0x6d: {  	v41 =	vld [tilespmem:$0x4510]  }
0x6e: {  	v43 =	vld [tilespmem:$0x4610]  }
0x6f: {  	vm2 =	vnez.u8 v42;
	v42 =	vld [tilespmem:$0x4590]  }
0x70: {  	vm3 =	vnez.u8 v62;
	v62 =	vld [tilespmem:$0x1FEB0]  }
0x71: {  	vm7 =	vnez.u8 v45;
	v45 =	vld [tilespmem:$0x1FEA0]  }
0x72: {  	vm9 =	vnez.u8 v48;
	v48 =	vld [tilespmem:$0x1FE90]  }
0x73: {  	vm15 =	vnez.u8 v51;
	v51 =	vld [tilespmem:$0x1FE80]  }
0x74: {  	vm1 =	vnez.u8 v59;
	vm14 =	vnez.u8 v55;
	v55 =	vld [tilespmem:$0x1FF30]  }
0x75: {  	vm13 =	vnez.u8 v60;
	v57 =	vnsel vm1, $0x0, v32;
	v32 =	vld [tilespmem:$0x4020]  }
0x76: {  	vm4 =	vnez.u8 v61;
	v59 =	vnsel vm13, $0x0, v33;
	v33 =	vld [tilespmem:$0x40A0]  }
0x77: {  	v61 =	vnsel vm4, $0x0, v34;
	v34 =	vld [tilespmem:$0x41A0]  }
0x78: {  	vm5 =	vnez.u8 v63;
	v63 =	vnsel vm3, $0x0, v35;
	v35 =	vld [tilespmem:$0x42A0]  }
0x79: {  	vm6 =	vnez.u8 v44;
	v44 =	vnsel vm5, $0x0, v36;
	v36 =	vld [tilespmem:$0x43A0]  }
0x7a: {  	vm8 =	vnez.u8 v46;
	v46 =	vnsel vm6, $0x0, v37;
	v37 =	vld [tilespmem:$0x44A0]  }
0x7b: {  	vm10 =	vnez.u8 v47;
	vm11 =	vnez.u8 v49;
	v47 =	vnsel vm7, $0x0, v38;
	v38 =	vld [tilespmem:$0x4820]  }
0x7c: {  	v3 =	vsel vm2, $0x0, v3;
	v5 =	vnsel vm1, $0x0, v5;
	v49 =	vnsel vm8, $0x0, v39;
	v39 =	vld [tilespmem:$0x1FE30]  }
0x7d: {  	v3 =	vadd.s32 v3, v5;
	v5 =	vnsel vm13, $0x0, v7;
	v7 =	vld [tilespmem:$0x4E10]  }
0x7e: {  	v3 =	vadd.s32 v5, v3;
	v5 =	vnsel vm4, $0x0, v8;
	v8 =	vld [tilespmem:$0x4690]  }
0x7f: {  	v3 =	vadd.s32 v5, v3;
	v5 =	vnsel vm3, $0x0, v9;
	v9 =	vld [tilespmem:$0x4710]  }
0x80: {  	vm4 =	vnez.u8 v62;
	v62 =	vld [tilespmem:$0x1FEE0]  }
0x81: {  	vm1 =	vnez.u8 v51;
	v51 =	vld [tilespmem:$0x1FFA0]  }
0x82: {  	v3 =	vadd.s32 v5, v3;
	v5 =	vnsel vm5, $0x0, v10;
	v10 =	vld [tilespmem:$0x4790]  }
0x83: {  	v3 =	vadd.s32 v5, v3;
	v5 =	vnsel vm6, $0x0, v11;
	v11 =	vld [tilespmem:$0x4810]  }
0x84: {  	v3 =	vadd.s32 v5, v3;
	v5 =	vnsel vm7, $0x0, v12;
	v12 =	vld [tilespmem:$0x4890]  }
0x85: {  	v3 =	vadd.s32 v5, v3;
	v5 =	vnsel vm8, $0x0, v13;
	v13 =	vld [tilespmem:$0x4910]  }
0x86: {  	v3 =	vadd.s32 v5, v3;
	v5 =	vnsel vm10, $0x0, v14;
	v14 =	vld [tilespmem:$0x4990]  }
0x87: {  	v3 =	vadd.s32 v5, v3;
	v5 =	vnsel vm9, $0x0, v15;
	v15 =	vld [tilespmem:$0x4A10]  }
0x88: {  	vm0 =	vnez.u8 v50;
	v3 =	vadd.s32 v5, v3;
	v5 =	vnsel vm11, $0x0, v16;
	v16 =	vld [tilespmem:$0x4A90]  }
0x89: {  	v3 =	vadd.s32 v5, v3;
	v5 =	vnsel vm0, $0x0, v17;
	v17 =	vld [tilespmem:$0x4B10]  }
0x8a: {  	vm0 =	vnez.u8 v48;
	v48 =	vld [tilespmem:$0x1FFD0]  }
0x8b: {  	v3 =	vadd.s32 v5, v3;
	v5 =	vnsel vm15, $0x0, v18;
	v18 =	vld [tilespmem:$0x4B90]  }
0x8c: {  	vm12 =	vnez.u8 v52;
	vm15 =	vnez.u8 v54;
	v54 =	vld [tilespmem:$0x1FE70]  }
0x8d: {  	v3 =	vadd.s32 v5, v3;
	v5 =	vnsel vm12, $0x0, v19;
	v19 =	vld [tilespmem:$0x4C10];
	vm12 =	vnez.u8 v53  }
0x8e: {  	v3 =	vadd.s32 v5, v3;
	v5 =	vnsel vm12, $0x0, v20;
	v20 =	vld [tilespmem:$0x4C90]  }
0x8f: {  	v50 =	vnsel vm10, $0x0, v40;
	v40 =	vnsel vm4, $0x0, v15;
	v15 =	vld [tilespmem:$0x49A0]  }
0x90: {  	v3 =	vadd.s32 v5, v3;
	v5 =	vnsel vm15, $0x0, v21;
	v21 =	vld [tilespmem:$0x4D10]  }
0x91: {  	v3 =	vadd.s32 v5, v3;
	v5 =	vnsel vm14, $0x0, v22;
	v22 =	vld [tilespmem:$0x4D90]  }
0x92: {  	vm14 =	vnez.u8 v56;
	v56 =	vld [tilespmem:$0x1FF20]  }
0x93: {  	v3 =	vadd.s32 v5, v3;
	v5 =	vnsel vm14, $0x0, v23;
	vm14 =	vnez.u8 v58;
	v58 =	vld [tilespmem:$0x1FF10]  }
0x94: {  	vm8 =	vnez.u8 v54;
	v54 =	vld [tilespmem:$0x1FF70]  }
0x95: {  	v23 =	vadd.s32 v5, v3;
	v3 =	vsel vm2, $0x0, v31;
	v5 =	vld [tilespmem:$0x4E90]  }
0x96: {  	v31 =	vadd.s32 v3, v57;
	v3 =	vld [tilespmem:$0x4F10]  }
0x97: {  	vm13 =	vnez.u8 v45;
	v57 =	vld [tilespmem:$0x1FE60]  }
0x98: {  	v25 =	vnsel vm4, $0x0, v25;
	v24 =	vnsel vm14, $0x0, v24;
	v60 =	vadd.s32 v59, v31;
	v31 =	vld [tilespmem:$0x4120]  }
0x99: {  	vm6 =	vnez.u8 v55;
	v23 =	vadd.s32 v24, v23;
	v59 =	vnsel vm12, $0x0, v10;
	v10 =	vld [tilespmem:$0x4620]  }
0x9a: {  	v26 =	vnsel vm13, $0x0, v26;
	v23 =	vadd.s32 v25, v23;
	v25 =	vnsel vm6, $0x0, v43;
	v43 =	vld [tilespmem:$0x1FE20]  }
0x9b: {  	v23 =	vadd.s32 v26, v23;
	v26 =	vld [tilespmem:$0x4220]  }
0x9c: {  	v24 =	vadd.s32 v61, v60;
	v60 =	vld [tilespmem:$0x1FE50]  }
0x9d: {  	v52 =	vnsel vm9, $0x0, v41;
	v27 =	vnsel vm0, $0x0, v27;
	v61 =	vnsel vm15, $0x0, v11;
	v11 =	vld [tilespmem:$0x46A0]  }
0x9e: {  	v28 =	vnsel vm1, $0x0, v28;
	v24 =	vadd.s32 v63, v24;
	v23 =	vadd.s32 v27, v23;
	v27 =	vld [tilespmem:$0x4320]  }
0x9f: {  	v53 =	vnsel vm11, $0x0, v42;
	v29 =	vnsel vm8, $0x0, v29;
	v63 =	vld [tilespmem:$0x1FE40];
	v24 =	vadd.s32 v44, v24  }
0xa0: {  	vm3 =	vnez.u8 v58;
	v58 =	vld [tilespmem:$0x1FF40];
	v23 =	vadd.s32 v28, v23;
	v24 =	vadd.s32 v46, v24  }
0xa1: {  	v28 =	vld [tilespmem:$0x4420];
	v44 =	vnsel vm0, $0x0, v17;
	vm5 =	vnez.u8 v57;
	v24 =	vadd.s32 v47, v24  }
0xa2: {  	v17 =	vld [tilespmem:$0x4AA0];
	v23 =	vadd.s32 v29, v23;
	v29 =	vnsel vm5, $0x0, v30;
	v24 =	vadd.s32 v49, v24  }
0xa3: {  	v46 =	vld [tilespmem:$0x1FFE0];
	v30 =	vnsel vm14, $0x0, v14;
	vm9 =	vnez.u8 v60;
	v24 =	vadd.s32 v50, v24  }
0xa4: {  	v14 =	vld [tilespmem:$0x48A0];
	v23 =	vadd.s32 v29, v23;
	v6 =	vnsel vm9, $0x0, v6;
	v24 =	vadd.s32 v52, v24  }
0xa5: {  	vm2 =	vnez.u8 v56;
	v6 =	vadd.s32 v6, v23;
	v23 =	vld [tilespmem:$0x1FED0];
	v24 =	vadd.s32 v53, v24  }
0xa6: {  	v8 =	vnsel vm2, $0x0, v8;
	v47 =	vnsel vm8, $0x0, v19;
	v19 =	vld [tilespmem:$0x4B20];
	v24 =	vadd.s32 v25, v24  }
0xa7: {  	v9 =	vnsel vm3, $0x0, v9;
	vm4 =	vnez.u8 v43;
	v43 =	vld [tilespmem:$0x4430];
	v8 =	vadd.s32 v8, v24  }
0xa8: {  	vm7 =	vnez.u8 v39;
	v49 =	vld [tilespmem:$0x1FFC0];
	v8 =	vadd.s32 v9, v8  }
0xa9: {  	vm10 =	vnez.u8 v62;
	v60 =	vld [tilespmem:$0x40B0];
	vm15 =	vnez.u8 v63;
	v8 =	vadd.s32 v59, v8  }
0xaa: {  	v50 =	vld [tilespmem:$0x1FFB0];
	v9 =	vnsel vm10, $0x0, v12;
	vm11 =	vnez.u8 v23;
	v8 =	vadd.s32 v61, v8  }
0xab: {  	v21 =	vnsel vm9, $0x0, v21;
	v63 =	vld [tilespmem:$0x4130];
	v8 =	vadd.s32 v9, v8;
	v9 =	vnsel vm11, $0x0, v13  }
0xac: {  	vm9 =	vnez.u8 v54;
	v54 =	vld [tilespmem:$0x46B0];
	v4 =	vnsel vm15, $0x0, v4;
	v29 =	vadd.s32 v9, v8  }
0xad: {  	v2 =	vnsel vm7, $0x0, v2;
	v52 =	vld [tilespmem:$0x1FF90];
	v4 =	vadd.s32 v4, v6;
	v6 =	vadd.s32 v30, v29  }
0xae: {  	v42 =	vnsel vm13, $0x0, v16;
	v1 =	vnsel vm4, $0x0, v1;
	v53 =	vld [tilespmem:$0x1FF80];
	v41 =	vadd.s32 v40, v6  }
0xaf: {  	vm13 =	vnez.u8 v46;
	v46 =	vld [tilespmem:$0x1FED0];
	v2 =	vadd.s32 v2, v4;
	v4 =	vadd.s32 v42, v41  }
0xb0: {  	v25 =	vld [tilespmem:$0x4520];
	v45 =	vadd.s32 v1, v2;
	v2 =	vnsel vm1, $0x0, v18;
	v1 =	vadd.s32 v44, v4  }
0xb1: {  	v1 =	vadd.s32 v2, v1;
	v2 =	vld [tilespmem:$0x1FFF0]  }
0xb2: {  	v24 =	vld [tilespmem:$0x45A0]  }
0xb3: {  	v18 =	vld [tilespmem:$0x4BA0]  }
0xb4: {  	vm14 =	vnez.u8 v49;
	v49 =	vld [tilespmem:$0x45B0]  }
0xb5: {  	v20 =	vnsel vm5, $0x0, v20;
	v12 =	vld [tilespmem:$0x4720]  }
0xb6: {  	v23 =	vld [tilespmem:$0x4C20];
	vm10 =	vnez.u8 v53;
	v53 =	vnsel vm9, $0x0, v43;
	vm12 =	vnez.u8 v2  }
0xb7: {  	v59 =	vld [tilespmem:$0x4030];
	v4 =	vnsel vm13, $0x0, v33;
	v2 =	vsel vm12, $0x0, v32;
	vm12 =	vnez.u8 v48  }
0xb8: {  	v43 =	vld [tilespmem:$0x1FE50];
	vm11 =	vnez.u8 v52;
	v2 =	vadd.s32 v2, v4;
	v4 =	vnsel vm12, $0x0, v31  }
0xb9: {  	v13 =	vld [tilespmem:$0x47A0];
	v2 =	vadd.s32 v4, v2;
	v4 =	vnsel vm14, $0x0, v34;
	vm14 =	vnez.u8 v50  }
0xba: {  	v52 =	vld [tilespmem:$0x4630];
	vm13 =	vnez.u8 v51;
	v2 =	vadd.s32 v4, v2;
	v4 =	vnsel vm14, $0x0, v26  }
0xbb: {  	v22 =	vnsel vm15, $0x0, v22;
	v8 =	vld [tilespmem:$0x4920];
	v2 =	vadd.s32 v4, v2;
	v4 =	vnsel vm13, $0x0, v35  }
0xbc: {  	v29 =	vld [tilespmem:$0x41B0];
	v1 =	vadd.s32 v47, v1;
	v2 =	vadd.s32 v4, v2;
	v4 =	vnsel vm11, $0x0, v27  }
0xbd: {  	v30 =	vld [tilespmem:$0x1FF00];
	v1 =	vadd.s32 v20, v1;
	v2 =	vadd.s32 v4, v2;
	v4 =	vnsel vm10, $0x0, v36  }
0xbe: {  	v55 =	vnsel vm9, $0x0, v28;
	v6 =	vld [tilespmem:$0x4A20];
	v1 =	vadd.s32 v21, v1;
	v2 =	vadd.s32 v4, v2  }
0xbf: {  	v22 =	vadd.s32 v22, v1;
	v1 =	vadd.s32 v55, v2;
	v2 =	vld [tilespmem:$0x1FF60]  }
0xc0: {  	v40 =	vld [tilespmem:$0x43B0]  }
0xc1: {  	v41 =	vld [tilespmem:$0x1FEE0]  }
0xc2: {  	v42 =	vld [tilespmem:$0x1FFC0]  }
0xc3: {  	v33 =	vld [tilespmem:$0x42B0]  }
0xc4: {  	v47 =	vld [tilespmem:$0x4530];
	vm5 =	vnez.u8 v2  }
0xc5: {  	v20 =	vld [tilespmem:$0x4CA0];
	v56 =	vnsel vm5, $0x0, v37  }
0xc6: {  	v27 =	vadd.s32 v56, v1;
	v1 =	vld [tilespmem:$0x1FF50]  }
0xc7: {  	v31 =	vld [tilespmem:$0x4230]  }
0xc8: {  	v7 =	vnsel vm7, $0x0, v7;
	v39 =	vnsel vm12, $0x0, v63;
	v63 =	vld [tilespmem:$0x4830]  }
0xc9: {  	vm8 =	vmmov vm6;
	v10 =	vnsel vm6, $0x0, v10;
	v5 =	vnsel vm4, $0x0, v5;
	v34 =	vld [tilespmem:$0x1FEF0]  }
0xca: {  	v62 =	vnsel vm2, $0x0, v11;
	vm4 =	vmmov vm3;
	vm0 =	vnez.u8 v58;
	v50 =	vld [tilespmem:$0x1FEC0]  }
0xcb: {  	v24 =	vnsel vm0, $0x0, v24;
	v28 =	vnsel vm3, $0x0, v12;
	v35 =	vld [tilespmem:$0x1FFF0];
	vm15 =	vnez.u8 v1  }
0xcc: {  	v51 =	vnsel vm10, $0x0, v40;
	vm2 =	vnez.u8 v41;
	v37 =	vld [tilespmem:$0x4330];
	v25 =	vnsel vm15, $0x0, v25  }
0xcd: {  	v14 =	vnsel vm2, $0x0, v14;
	v7 =	vadd.s32 v7, v22;
	v57 =	vadd.s32 v25, v27;
	v27 =	vld [tilespmem:$0x1FE10]  }
0xce: {  	v40 =	vld [tilespmem:$0x4C30];
	v5 =	vadd.s32 v5, v7;
	v44 =	vnsel vm14, $0x0, v31;
	vm14 =	vnez.u8 v46  }
0xcf: {  	vm10 =	vnez.u8 v43;
	vm6 =	vnez.u8 v34;
	v22 =	vadd.s32 v24, v57;
	v57 =	vld [tilespmem:$0x4730]  }
0xd0: {  	v21 =	vld [tilespmem:$0x4DA0];
	v8 =	vnsel vm14, $0x0, v8;
	vm3 =	vnez.u8 v50;
	v9 =	vnsel vm6, $0x0, v38  }
0xd1: {  	v36 =	vld [tilespmem:$0x1FFE0];
	v31 =	vnsel vm6, $0x0, v63;
	vm7 =	vnez.u8 v35;
	v61 =	vadd.s32 v10, v22  }
0xd2: {  	v48 =	vnsel vm11, $0x0, v37;
	v22 =	vld [tilespmem:$0x1FF20];
	v7 =	vadd.s32 v62, v61;
	vm1 =	vnez.u8 v27  }
0xd3: {  	v26 =	vld [tilespmem:$0x4D20];
	v62 =	vnsel vm0, $0x0, v49;
	v7 =	vadd.s32 v28, v7;
	v0 =	vnsel vm1, $0x0, v0  }
0xd4: {  	v24 =	vld [tilespmem:$0x4930];
	v3 =	vnsel vm1, $0x0, v3;
	vm1 =	vnez.u8 v30;
	v25 =	vnsel vm4, $0x0, v57  }
0xd5: {  	v61 =	vld [tilespmem:$0x1FEA0];
	v10 =	vnsel vm1, $0x0, v13;
	v0 =	vadd.s32 v0, v45;
	v3 =	vadd.s32 v3, v5  }
0xd6: {  	v28 =	vld [tilespmem:$0x1FE80];
	v32 =	vadd.s32 v10, v7;
	v10 =	vsel vm7, $0x0, v59;
	vm7 =	vnez.u8 v36  }
0xd7: {  	v55 =	vld [tilespmem:$0x1FEB0];
	vm12 =	vnez.u8 v22;
	v7 =	vnsel vm13, $0x0, v33;
	v16 =	vnsel vm7, $0x0, v60  }
0xd8: {  	v37 =	vld [tilespmem:$0x4BB0];
	v59 =	vnsel vm15, $0x0, v47;
	vm7 =	vnez.u8 v42;
	v38 =	vadd.s32 v10, v16  }
0xd9: {  	v27 =	vld [tilespmem:$0x49B0];
	v5 =	vadd.s32 v9, v32;
	v10 =	vnsel vm7, $0x0, v29;
	v9 =	vadd.s32 v39, v38  }
0xda: {  	v45 =	vld [tilespmem:$0x44B0];
	vm11 =	vnez.u8 v61;
	v36 =	vnsel vm14, $0x0, v24;
	v9 =	vadd.s32 v10, v9  }
0xdb: {  	v30 =	vld [tilespmem:$0x4A30];
	vm13 =	vnez.u8 v28;
	v5 =	vadd.s32 v14, v5;
	v9 =	vadd.s32 v44, v9  }
0xdc: {  	v33 =	vld [tilespmem:$0x1FE70];
	v14 =	vnsel vm3, $0x0, v15;
	vm7 =	vnez.u8 v55;
	v7 =	vadd.s32 v7, v9  }
0xdd: {  	v60 =	vld [tilespmem:$0x47B0];
	v15 =	vnsel vm8, $0x0, v52;
	v13 =	vnsel vm13, $0x0, v18;
	v7 =	vadd.s32 v48, v7  }
0xde: {  	v32 =	vld [tilespmem:$0x4AB0];
	v49 =	vnsel vm13, $0x0, v37;
	v5 =	vadd.s32 v8, v5;
	v7 =	vadd.s32 v51, v7  }
0xdf: {  	v16 =	vld [tilespmem:$0x48B0];
	v6 =	vnsel vm7, $0x0, v6;
	v56 =	vnsel vm5, $0x0, v45;
	v7 =	vadd.s32 v53, v7  }
0xe0: {  	v38 =	vld [tilespmem:$0x1FE60];
	v39 =	vnsel vm3, $0x0, v27;
	v5 =	vadd.s32 v14, v5;
	v58 =	vadd.s32 v56, v7  }
0xe1: {  	v10 =	vnsel vm11, $0x0, v17;
	v17 =	vld [tilespmem:$0x1FE90];
	v5 =	vadd.s32 v6, v5;
	v6 =	vadd.s32 v59, v58  }
0xe2: {  	v41 =	vnsel vm7, $0x0, v30;
	v45 =	vld [tilespmem:$0x4D30];
	vm15 =	vnez.u8 v33;
	v6 =	vadd.s32 v62, v6  }
0xe3: {  	v35 =	vld [tilespmem:$0x4B30];
	v5 =	vadd.s32 v10, v5;
	v7 =	vnsel vm12, $0x0, v54;
	v6 =	vadd.s32 v15, v6  }
0xe4: {  	v42 =	vld [tilespmem:$0x4CB0];
	v29 =	vnsel vm1, $0x0, v60;
	v44 =	vnsel vm11, $0x0, v32;
	v6 =	vadd.s32 v7, v6  }
0xe5: {  	v34 =	vnsel vm2, $0x0, v16;
	v48 =	vld [tilespmem:$0x1FE40];
	vm9 =	vnez.u8 v38;
	v6 =	vadd.s32 v25, v6  }
0xe6: {  	v4 =	vld [tilespmem:$0x4E20];
	v51 =	vnsel vm15, $0x0, v40;
	vm8 =	vnez.u8 v17;
	v6 =	vadd.s32 v29, v6  }
0xe7: {  	v47 =	vld [tilespmem:$0x4DB0];
	v57 =	vnsel vm10, $0x0, v45;
	v11 =	vnsel vm8, $0x0, v19;
	v6 =	vadd.s32 v31, v6  }
0xe8: {  	v53 =	vld [tilespmem:$0x1FE30];
	v46 =	vnsel vm8, $0x0, v35;
	v5 =	vadd.s32 v11, v5;
	v6 =	vadd.s32 v34, v6  }
0xe9: {  	v50 =	vld [tilespmem:$0x4E30];
	v54 =	vnsel vm9, $0x0, v42;
	v5 =	vadd.s32 v13, v5;
	v6 =	vadd.s32 v36, v6  }
0xea: {  	v2 =	vld [tilespmem:$0x4EA0];
	v13 =	vnsel vm15, $0x0, v23;
	vm12 =	vnez.u8 v48;
	v6 =	vadd.s32 v39, v6  }
0xeb: {  	v58 =	vld [tilespmem:$0x1FE20];
	v5 =	vadd.s32 v13, v5;
	v13 =	vnsel vm9, $0x0, v20;
	v6 =	vadd.s32 v41, v6  }
0xec: {  	v52 =	vld [tilespmem:$0x4EB0];
	v59 =	vnsel vm12, $0x0, v47;
	v5 =	vadd.s32 v13, v5;
	v6 =	vadd.s32 v44, v6  }
0xed: {  	v62 =	vld [tilespmem:$0x1FE10];
	v13 =	vnsel vm10, $0x0, v26;
	vm13 =	vnez.u8 v53;
	v6 =	vadd.s32 v46, v6  }
0xee: {  	v1 =	vld [tilespmem:$0x4F20];
	v5 =	vadd.s32 v13, v5;
	v13 =	vnsel vm12, $0x0, v21;
	v6 =	vadd.s32 v49, v6  }
0xef: {  	v55 =	vld [tilespmem:$0x4F30];
	v4 =	vnsel vm13, $0x0, v4;
	v61 =	vnsel vm13, $0x0, v50;
	v6 =	vadd.s32 v51, v6  }
0xf0: {  	v5 =	vadd.s32 v13, v5;
	vm14 =	vnez.u8 v58;
	v56 =	vadd.s32 v54, v6  }
0xf1: {  	v4 =	vadd.s32 v4, v5;
	v2 =	vnsel vm14, $0x0, v2;
	v5 =	vadd.s32 v57, v56  }
0xf2: {  	vm15 =	vnez.u8 v62;
	v63 =	vnsel vm14, $0x0, v52;
	v60 =	vadd.s32 v59, v5  }
0xf3: {  	[tilespmem:$0x5000] =	vst v0;
	v2 =	vadd.s32 v2, v4;
	v1 =	vnsel vm15, $0x0, v1;
	v0 =	vadd.s32 v61, v60  }
0xf4: {  	[tilespmem:$0x5010] =	vst v3;
	v1 =	vadd.s32 v1, v2;
	v2 =	vnsel vm15, $0x0, v55;
	v0 =	vadd.s32 v63, v0  }
0xf5: {  	[tilespmem:$0x5020] =	vst v1;
	v0 =	vadd.s32 v2, v0  }
0xf6: {  	s14 =	simm.s32 $0x0;
	[tilespmem:$0x5030] =	vst v0  }
0xf7: {  	v1 =	vld [tilespmem:s14+$0x0];
	_ =	sdelay $0x5  }
0xf8: {  	s13 =	simm.s32 $0x80  }
0xf9: {  	v0 =	vld [tilespmem:s13+$0x0]  }
0xfa: {  	s15 =	simm.s32 $0x400;
	v1 =	vld.idx.msk [tilespmem:v1+s11+$0x0], $0xffff  }
.LBB2_2:
0xfb: {  	p0 =	sne.s32 s15, $0x7E00;
	v2 =	vld [tilespmem:s14+$0x2000];
	_ =	sdelay $0x2  }
0xfc: {  	v3 =	vmov v0  }
.Ltmp0:
0xfd: {  	(pc) =	sbr.rel @p0 .LBB2_2-.Ltmp0, $4  }
0xfe: {  	v0 =	vadd.s32 v2, v1  }
0xff: {  	[tilespmem:s14+$0x2000] =	vst v0;
	s14 =	smov.u32 s13;
	s13 =	sshra.s32 s15, $0x2  }
0x100: {  	v0 =	vld [tilespmem:s13+$0x0]  }
0x101: {  	s15 =	sadd.s32 $0x200, s15;
	v1 =	vld.idx.msk [tilespmem:v3+s11+$0x0], $0xffff  }
0x102: {  	v2 =	vld [tilespmem:s14+$0x2000];
	_ =	sdelay $0x4  }
0x103: {  	v1 =	vadd.s32 v2, v1  }
0x104: {  	[tilespmem:s14+$0x2000] =	vst v1  }
0x105: {  	v0 =	vld.idx.msk [tilespmem:v0+s11+$0x0], $0xffff  }
0x106: {  	v1 =	vld [tilespmem:s13+$0x2000];
	_ =	sdelay $0x3  }
0x107: {  	s12 =	sadd.s32 $0x1, s12  }
0x108: {  	p0 =	sne.s32 s12, s7;
	v0 =	vadd.s32 v1, v0  }
.Ltmp1:
0x109: {  	[tilespmem:s13+$0x2000] =	vst v0;
	(pc) =	sbr.rel @p0 .LBB2_1-.Ltmp1, $4  }
0x10a: {  	[hbm4b:s6+s3] =	stream.linear.scatter [tilespmem:s9], [sflag:$0x1], $0x2000, $0x38;
	[tilespmem:$0x5080] =	vst v63  }
0x10b: {  	_ =	swait.ge [sflag:s8], $0x2000  }
0x10c: {  	[sflag:s8] =	ssyncset.done $0x0  }
0x10d: {  	[sflag:s8] =	ssyncadd.s32 $0xFFFFE000  }
0x10e: {  	_ =	sfence.sel $0x180000  }
0x10f: {  	[bflag:$0x0] =	sbarrier.arrive $0xFFFF  }
0x110: {  	p0 =	sne.s32 s0, $0x0;
	_ =	strace $0x9000004A  }
0x111: {  	s0 =	sadd.s32 @!p0 $0x100000, s1;
	[bflag:$0x2] =	sbarrier.arrive $0xFFFF  }
0x112: {  	[sflag:s0] =	ssyncadd.tile.s32 @!p0 $0x1;
	_ =	shalt  }
.Lfunc_end2:
_tile_overlayer_lowered:
.L_overlay_start_2:
0x113: {  	(tag) =	ssettag $0x2  }
0x114: {  	s0 =	rddreg [dreg:$0x0];
	s2 =	stileid.u32  }
0x115: {  	s1 =	rddreg [dreg:$0x1];
	p0 =	sne.s32 s2, $0x0  }
0x116: {  	s3 =	rddreg [dreg:$0x2];
	[bflag:$0x3] =	sbarrier.arrive $0xFFFF;
	s2 =	simm.s32 @!p0 $0x1C01  }
0x117: {  	[timem:s3], [sflag:s2] =	dma.local @!p0 [hbm:s0], s1  }
0x118: {  	s0 =	simm.s32 @!p0 $0x1  }
0x119: {  	_ =	swait.ge @!p0 [sflag:s0], s1  }
0x11a: {  	s1 =	ssub.s32 @!p0 $0x0, s1;
	[sflag:s0] =	ssyncset.done @!p0 $0x0  }
0x11b: {  	[sflag:s0] =	ssyncadd.s32 @!p0 s1  }
0x11c: {  	[bflag:$0x3] =	sbarrier.arrive $0xFFFF  }
0x11d: {  	_ =	shalt  }

</sc_bundles>
